<compile_context>
chip_gen: v7x
topology: tpu7x:2x2x1
jax: 0.10.2.dev20260603
libtpu: 0.0.44.dev20260713+nightly
codegen_flags: <defaults>
</compile_context>

<pallas_src>
import functools

import jax
import jax.numpy as jnp
from jax import lax
from jax.experimental import pallas as pl
from jax.experimental.pallas import tpu as pltpu
from jax.experimental.pallas import tpu_sc as plsc

_N = 10000
_E = 320000
_NC = 2
_NS = 16
_BLK = 128

_ROWS = 624
_ROWS_LAST = _N - (_NS - 1) * _ROWS

_HALF_STRIDE = 78 * _BLK

_MESH = dict(core_axis_name="c", subcore_axis_name="s", num_cores=_NC,
             num_subcores=_NS)

_Q = 3


def _zero_acc(zeros, acc, s):
  @pl.when(s < _NS - 1)
  def _():
    r0 = pl.multiple_of(s * _ROWS, 8)
    pltpu.sync_copy(zeros.at[pl.ds(r0, _ROWS)], acc.at[pl.ds(r0, _ROWS)])

  @pl.when(s == _NS - 1)
  def _():
    r0 = (_NS - 1) * _ROWS
    pltpu.sync_copy(zeros.at[pl.ds(r0, _ROWS_LAST)],
                    acc.at[pl.ds(r0, _ROWS_LAST)])


def _write_acc(acc, out, s, out_base):
  @pl.when(s < _NS - 1)
  def _():
    r0 = pl.multiple_of(s * _ROWS, 8)
    pltpu.sync_copy(acc.at[pl.ds(r0, _ROWS)],
                    out.at[pl.ds(pl.multiple_of(out_base + r0, 8), _ROWS)])

  @pl.when(s == _NS - 1)
  def _():
    r0 = (_NS - 1) * _ROWS
    pltpu.sync_copy(
        acc.at[pl.ds(r0, _ROWS_LAST)],
        out.at[pl.ds(pl.multiple_of(out_base + r0, 8), _ROWS_LAST)])


def _seg_pipeline(table, srcarr, dstarr, acc, idxs, idxd, rows,
                  semi, semg, sems, eoff, ngroups):

  def body(h, carry):
    o = eoff + h * (_Q * _BLK)

    @pl.when(h >= 1)
    def _drain_prev():
      for j in range(_Q):
        pltpu.make_async_copy(rows[j], acc.at[idxd[j]], sems).wait()

    di = []
    for j in range(_Q):
      di.append(pltpu.async_copy(
          srcarr.at[pl.ds(o + j * _BLK, _BLK)], idxs[j], semi))
      di.append(pltpu.async_copy(
          dstarr.at[pl.ds(o + j * _BLK, _BLK)], idxd[j], semi))
    for d in di:
      d.wait()
    dg = [pltpu.async_copy(table.at[idxs[j]], rows[j], semg)
          for j in range(_Q)]
    for d in dg:
      d.wait()
    for j in range(_Q):
      pltpu.async_copy(rows[j], acc.at[idxd[j]], sems, add=True)
    return carry

  lax.fori_loop(0, ngroups, body, 0)
  for j in range(_Q):
    pltpu.make_async_copy(rows[j], acc.at[idxd[j]], sems).wait()


def _seg_tail(table, srcarr, dstarr, acc, idxs0, idxd0, rows0, semg, eoff):
  pltpu.sync_copy(srcarr.at[pl.ds(eoff, _BLK)], idxs0)
  pltpu.sync_copy(dstarr.at[pl.ds(eoff, _BLK)], idxd0)
  pltpu.async_copy(table.at[idxs0], rows0, semg).wait()
  pltpu.sync_copy(rows0, acc.at[idxd0], add=True)


@functools.partial(
    pl.kernel,
    out_type=jax.ShapeDtypeStruct((_NC * _N, 128), jnp.float32),
    mesh=plsc.VectorSubcoreMesh(**_MESH),
    scratch_types=(
        [pltpu.VMEM_SHARED((_N, 128), jnp.float32)]
        + [pltpu.VMEM((_BLK,), jnp.int32) for _ in range(2 * _Q)]
        + [pltpu.VMEM((_BLK, 128), jnp.float32) for _ in range(_Q)]
        + [pltpu.SemaphoreType.DMA for _ in range(3)]
    ),
)
def _seg(table, src, dst, zeros, out, acc, *bufs):
  c = lax.axis_index("c")
  s = lax.axis_index("s")
  idxs, idxd, rows = bufs[:_Q], bufs[_Q:2 * _Q], bufs[2 * _Q:3 * _Q]
  semi, semg, sems = bufs[3 * _Q:]
  _zero_acc(zeros, acc, s)
  plsc.subcore_barrier()

  w = c * _NS + s
  _seg_pipeline(table, src, dst, acc, idxs, idxd, rows, semi, semg, sems,
                w * (78 * _BLK), 26)

  @pl.when(w < 4)
  def _tail():
    _seg_tail(table, src, dst, acc, idxs[0], idxd[0], rows[0], semg,
              (2496 + w) * _BLK)

  plsc.subcore_barrier()
  _write_acc(acc, out, s, c * _N)


@functools.partial(
    pl.kernel,
    out_type=jax.ShapeDtypeStruct((_NC * _N,), jnp.float32),
    mesh=plsc.VectorSubcoreMesh(**_MESH),
    scratch_types=(
        [pltpu.VMEM_SHARED((_N,), jnp.float32)]
        + [pltpu.VMEM((_BLK,), jnp.int32) for _ in range(_Q)]
        + [pltpu.VMEM((_BLK,), jnp.float32),
           pltpu.VMEM((_N,), jnp.float32),
           pltpu.SemaphoreType.DMA,
           pltpu.SemaphoreType.DMA]
    ),
)
def _deg_kernel(dst, zeros1, out, deg, idxd0, idxd1, idxd2, ones, vbuf,
                semi, sems):
  c = lax.axis_index("c")
  s = lax.axis_index("s")
  idxd = (idxd0, idxd1, idxd2)

  @pl.when(s == 0)
  def _zero():
    pltpu.sync_copy(zeros1, deg)

  for j in range(_BLK // 16):
    ones[pl.ds(16 * j, 16)] = jnp.full((16,), 1.0, jnp.float32)
  plsc.subcore_barrier()

  base = c * (_E // _NC) + s * _HALF_STRIDE

  def body(h, carry):
    o = base + h * (_Q * _BLK)

    @pl.when(h >= 1)
    def _drain_prev():
      for j in range(_Q):
        pltpu.make_async_copy(ones, deg.at[idxd[j]], sems).wait()

    di = [pltpu.async_copy(dst.at[pl.ds(o + j * _BLK, _BLK)], idxd[j],
                           semi) for j in range(_Q)]
    for d in di:
      d.wait()
    for j in range(_Q):
      pltpu.async_copy(ones, deg.at[idxd[j]], sems, add=True)
    return carry

  lax.fori_loop(0, 26, body, 0)
  for j in range(_Q):
    pltpu.make_async_copy(ones, deg.at[idxd[j]], sems).wait()

  @pl.when(s < 2)
  def _tail():
    off = c * (_E // _NC) + (16 * 78 + s) * _BLK
    pltpu.sync_copy(dst.at[pl.ds(off, _BLK)], idxd0)
    pltpu.sync_copy(ones, deg.at[idxd0], add=True)

  plsc.subcore_barrier()

  @pl.when(s == 0)
  def _writeout():
    pltpu.sync_copy(deg, vbuf)
    pltpu.sync_copy(vbuf, out.at[pl.ds(pl.multiple_of(c * _N, 8), _N)])


_BN = 1000


def _dinv_block(degp_ref):
  deg = degp_ref[0, 0, :] + degp_ref[0, 1, :] + 1.0
  return lax.rsqrt(deg)


def _scale_body(x_ref, degp_ref, xs_ref):
  dinv = _dinv_block(degp_ref)
  xs_ref[...] = x_ref[...] * dinv[:, None]


_scale = pl.pallas_call(
    _scale_body,
    grid=(_N // _BN,),
    in_specs=[
        pl.BlockSpec((_BN, 128), lambda i: (i, 0)),
        pl.BlockSpec((1, 2, _BN), lambda i: (i, 0, 0)),
    ],
    out_specs=pl.BlockSpec((_BN, 128), lambda i: (i, 0)),
    out_shape=jax.ShapeDtypeStruct((_N, 128), jnp.float32),
)


def _mm_body(aggp_ref, xs_ref, degp_ref, w1_ref, b1_ref, w2_ref, y2_ref):
  dinv = _dinv_block(degp_ref)
  z = aggp_ref[0] + aggp_ref[1] + xs_ref[...]
  zw = jnp.dot(z, w1_ref[...], preferred_element_type=jnp.float32)
  h = jnp.maximum(zw * dinv[:, None] + b1_ref[0, :], 0.0)
  y2 = jnp.dot(h, w2_ref[...], preferred_element_type=jnp.float32)
  y2_ref[...] = y2 * dinv[:, None]


_mm = pl.pallas_call(
    _mm_body,
    grid=(_N // _BN,),
    in_specs=[
        pl.BlockSpec((2, _BN, 128), lambda i: (0, i, 0)),
        pl.BlockSpec((_BN, 128), lambda i: (i, 0)),
        pl.BlockSpec((1, 2, _BN), lambda i: (i, 0, 0)),
        pl.BlockSpec((128, 256), lambda i: (0, 0)),
        pl.BlockSpec((1, 256), lambda i: (0, 0)),
        pl.BlockSpec((256, 128), lambda i: (0, 0)),
    ],
    out_specs=pl.BlockSpec((_BN, 128), lambda i: (i, 0)),
    out_shape=jax.ShapeDtypeStruct((_N, 128), jnp.float32),
)


def _fin_body(accp_ref, y2_ref, degp_ref, b2_ref, o_ref):
  dinv = _dinv_block(degp_ref)
  acc = accp_ref[0] + accp_ref[1]
  o_ref[...] = (acc + y2_ref[...]) * dinv[:, None] + b2_ref[0, :]


_fin = pl.pallas_call(
    _fin_body,
    grid=(_N // _BN,),
    in_specs=[
        pl.BlockSpec((2, _BN, 128), lambda i: (0, i, 0)),
        pl.BlockSpec((_BN, 128), lambda i: (i, 0)),
        pl.BlockSpec((1, 2, _BN), lambda i: (i, 0, 0)),
        pl.BlockSpec((1, 128), lambda i: (0, 0)),
    ],
    out_specs=pl.BlockSpec((_BN, 128), lambda i: (i, 0)),
    out_shape=jax.ShapeDtypeStruct((_N, 128), jnp.float32),
)


def kernel(x, edge_index, W1, b1, W2, b2):
  src, dst = edge_index[0], edge_index[1]
  zeros1 = jnp.zeros((_N,), jnp.float32)
  zeros128 = jnp.zeros((_N, 128), jnp.float32)

  degp = _deg_kernel(dst, zeros1).reshape(2, _N)
  degp3 = degp.reshape(2, _N // _BN, _BN).transpose(1, 0, 2)
  xs = _scale(x, degp3)
  aggp = _seg(xs, src, dst, zeros128)
  y2 = _mm(aggp.reshape(2, _N, 128), xs, degp3,
           W1, b1.reshape(1, 256), W2)
  acc2p = _seg(y2, src, dst, zeros128)
  return _fin(acc2p.reshape(2, _N, 128), y2, degp3, b2.reshape(1, 128))

# --- scband reference (transcript-rebuilt; emitter-appended) ---
"""Pipeline reference for scband-label-encoder-27788438405708 (READ-ONLY COPY).

The authoritative reference and input builder live on the scoring server;
editing this copy changes nothing except your own understanding.
"""

import jax, jax.numpy as jnp
import numpy as np

N = 10000
E = 320000
D_IN = 128
D_OUT = 128


def setup_inputs(seed: int = 0) -> dict:
    key = jax.random.key(seed)
    k1, k2, k3, k4 = jax.random.split(key, 4)
    x = jax.random.normal(k1, (N, D_IN), dtype=jnp.float32)
    edge_index = jax.random.randint(k2, (2, E), 0, N, dtype=jnp.int32)
    W1 = jax.random.normal(k3, (D_IN, 2 * D_OUT), dtype=jnp.float32) * (1.0 / np.sqrt(D_IN))
    b1 = jnp.zeros((2 * D_OUT,), dtype=jnp.float32)
    W2 = jax.random.normal(k4, (2 * D_OUT, D_OUT), dtype=jnp.float32) * (1.0 / np.sqrt(2 * D_OUT))
    b2 = jnp.zeros((D_OUT,), dtype=jnp.float32)
    return {"x": x, "edge_index": edge_index, "W1": W1, "b1": b1, "W2": W2, "b2": b2}


def _gcn_conv(x, src, dst, W, b):
    # PyG GCNConv with add_self_loops=True, normalize=True (symmetric norm)
    num_nodes = x.shape[0]
    xw = x @ W
    loop = jnp.arange(num_nodes, dtype=src.dtype)
    s = jnp.concatenate([src, loop])
    d = jnp.concatenate([dst, loop])
    deg = jnp.zeros((num_nodes,), dtype=x.dtype).at[d].add(1.0)
    deg_inv_sqrt = jnp.where(deg > 0, 1.0 / jnp.sqrt(deg), 0.0)
    norm = deg_inv_sqrt[s] * deg_inv_sqrt[d]
    msg = xw[s] * norm[:, None]
    out = jnp.zeros((num_nodes, W.shape[1]), dtype=x.dtype).at[d].add(msg)
    return out + b


def reference(x, edge_index, W1, b1, W2, b2):
    # Dropout treated as identity (eval mode). features='x' -> ReLU between layers.
    src, dst = edge_index[0], edge_index[1]
    h = _gcn_conv(x, src, dst, W1, b1)
    h = jax.nn.relu(h)
    out = _gcn_conv(h, src, dst, W2, b2)
    return out

if __name__ == "__main__":
    import jax
    _d = setup_inputs()
    print(jax.jit(kernel)(*tuple(_d.values())))

</pallas_src>

<mosaic_0001>
#map = affine_map<(d0, d1) -> (0, 0)>
#map1 = affine_map<(d0, d1) -> (0)>
module attributes {stable_mosaic.version = 14 : i64} {
  func.func @_seg(%arg0: i32, %arg1: i32, %arg2: memref<10000x128xf32, #tpu.memory_space<hbm>>, %arg3: memref<320000xi32, #tpu.memory_space<hbm>>, %arg4: memref<320000xi32, #tpu.memory_space<hbm>>, %arg5: memref<10000x128xf32, #tpu.memory_space<hbm>>, %arg6: memref<20000x128xf32, #tpu.memory_space<hbm>>, %arg7: memref<10000x128xf32, #tpu.memory_space<vmem_shared>>, %arg8: memref<128xi32, #tpu.memory_space<vmem>>, %arg9: memref<128xi32, #tpu.memory_space<vmem>>, %arg10: memref<128xi32, #tpu.memory_space<vmem>>, %arg11: memref<128xi32, #tpu.memory_space<vmem>>, %arg12: memref<128xi32, #tpu.memory_space<vmem>>, %arg13: memref<128xi32, #tpu.memory_space<vmem>>, %arg14: memref<128x128xf32, #tpu.memory_space<vmem>>, %arg15: memref<128x128xf32, #tpu.memory_space<vmem>>, %arg16: memref<128x128xf32, #tpu.memory_space<vmem>>, %arg17: memref<!tpu.dma_semaphore, #tpu.memory_space<semaphore_mem>>, %arg18: memref<!tpu.dma_semaphore, #tpu.memory_space<semaphore_mem>>, %arg19: memref<!tpu.dma_semaphore, #tpu.memory_space<semaphore_mem>>) attributes {dimension_semantics = [#tpu.dimension_semantics<core_parallel>, #tpu.dimension_semantics<subcore_parallel>], iteration_bounds = array<i64: 2, 16>, scalar_prefetch = 0 : i64, scratch_operands = 13 : i64, tpu.core_type = #tpu.core_type<sc_vector_subcore>, window_params = [{transform_indices = #map}, {transform_indices = #map1}, {transform_indices = #map1}, {transform_indices = #map}, {transform_indices = #map}]} {
    %lt3A = arith.constant 15 : i32
    %lt3A_0 = arith.cmpi slt, %arg1, %lt3A : i32
    %convert_element_type3A = arith.extui %lt3A_0 : i1 to i32
    %cond3A = arith.constant 0 : i32
    %cond3A_1 = arith.cmpi ne, %convert_element_type3A, %cond3A : i32
    scf.if %cond3A_1 {
      %mul3A_40 = arith.constant 624 : i32
      %mul3A_41 = arith.muli %arg1, %mul3A_40 : i32
      %multiple_of3A = tpu.assume_multiple %mul3A_41, 8 : i32
      "tpu.region"() ({
        %run_scoped3A = tpu.sem_alloc : memref<!tpu.dma_semaphore, #tpu.memory_space<semaphore_mem>>
        %dma_start3A = arith.constant 0 : i32
        %dma_start3A_42 = tpu.memref_slice %arg7[%multiple_of3A, %dma_start3A] : memref<10000x128xf32, #tpu.memory_space<vmem_shared>> -> memref<624x128xf32, #tpu.memory_space<vmem_shared>>
        %dma_start3A_43 = arith.constant 0 : i32
        %dma_start3A_44 = tpu.memref_slice %arg5[%multiple_of3A, %dma_start3A_43] : memref<10000x128xf32, #tpu.memory_space<hbm>> -> memref<624x128xf32, #tpu.memory_space<hbm>>
        tpu.enqueue_dma source(%dma_start3A_44 : memref<624x128xf32, #tpu.memory_space<hbm>>) target(%dma_start3A_42 : memref<624x128xf32, #tpu.memory_space<vmem_shared>>) target_semaphore(%run_scoped3A : memref<!tpu.dma_semaphore, #tpu.memory_space<semaphore_mem>>)
        %dma_wait3A_45 = arith.constant 0 : i32
        %dma_wait3A_46 = tpu.memref_slice %arg7[%multiple_of3A, %dma_wait3A_45] : memref<10000x128xf32, #tpu.memory_space<vmem_shared>> -> memref<624x128xf32, #tpu.memory_space<vmem_shared>>
        %dma_wait3A_47 = arith.constant 0 : i32
        %dma_wait3A_48 = tpu.memref_slice %arg5[%multiple_of3A, %dma_wait3A_47] : memref<10000x128xf32, #tpu.memory_space<hbm>> -> memref<624x128xf32, #tpu.memory_space<hbm>>
        tpu.wait_dma2 semaphore(%run_scoped3A : memref<!tpu.dma_semaphore, #tpu.memory_space<semaphore_mem>>) src(%dma_wait3A_48 : memref<624x128xf32, #tpu.memory_space<hbm>>) dst(%dma_wait3A_46 : memref<624x128xf32, #tpu.memory_space<vmem_shared>>)
        tpu.yield
      }) : () -> ()
    } else {
    }
    %eq3A = arith.constant 15 : i32
    %eq3A_2 = arith.cmpi eq, %arg1, %eq3A : i32
    %convert_element_type3A_3 = arith.extui %eq3A_2 : i1 to i32
    %cond3A_4 = arith.constant 0 : i32
    %cond3A_5 = arith.cmpi ne, %convert_element_type3A_3, %cond3A_4 : i32
    scf.if %cond3A_5 {
      "tpu.region"() ({
        %run_scoped3A = tpu.sem_alloc : memref<!tpu.dma_semaphore, #tpu.memory_space<semaphore_mem>>
        %dma_start3A = arith.constant 9360 : i32
        %dma_start3A_40 = arith.constant 0 : i32
        %dma_start3A_41 = tpu.memref_slice %arg7[%dma_start3A, %dma_start3A_40] : memref<10000x128xf32, #tpu.memory_space<vmem_shared>> -> memref<640x128xf32, #tpu.memory_space<vmem_shared>>
        %dma_start3A_42 = arith.constant 9360 : i32
        %dma_start3A_43 = arith.constant 0 : i32
        %dma_start3A_44 = tpu.memref_slice %arg5[%dma_start3A_42, %dma_start3A_43] : memref<10000x128xf32, #tpu.memory_space<hbm>> -> memref<640x128xf32, #tpu.memory_space<hbm>>
        tpu.enqueue_dma source(%dma_start3A_44 : memref<640x128xf32, #tpu.memory_space<hbm>>) target(%dma_start3A_41 : memref<640x128xf32, #tpu.memory_space<vmem_shared>>) target_semaphore(%run_scoped3A : memref<!tpu.dma_semaphore, #tpu.memory_space<semaphore_mem>>)
        %dma_wait3A_45 = arith.constant 9360 : i32
        %dma_wait3A_46 = arith.constant 0 : i32
        %dma_wait3A_47 = tpu.memref_slice %arg7[%dma_wait3A_45, %dma_wait3A_46] : memref<10000x128xf32, #tpu.memory_space<vmem_shared>> -> memref<640x128xf32, #tpu.memory_space<vmem_shared>>
        %dma_wait3A_48 = arith.constant 9360 : i32
        %dma_wait3A_49 = arith.constant 0 : i32
        %dma_wait3A_50 = tpu.memref_slice %arg5[%dma_wait3A_48, %dma_wait3A_49] : memref<10000x128xf32, #tpu.memory_space<hbm>> -> memref<640x128xf32, #tpu.memory_space<hbm>>
        tpu.wait_dma2 semaphore(%run_scoped3A : memref<!tpu.dma_semaphore, #tpu.memory_space<semaphore_mem>>) src(%dma_wait3A_50 : memref<640x128xf32, #tpu.memory_space<hbm>>) dst(%dma_wait3A_47 : memref<640x128xf32, #tpu.memory_space<vmem_shared>>)
        tpu.yield
      }) : () -> ()
    } else {
    }
    %barrier3A = arith.constant 0 : index
    tpu.barrier barrier_id(%barrier3A)
    %mul3A = arith.constant 16 : i32
    %mul3A_6 = arith.muli %arg0, %mul3A : i32
    %add3A = arith.addi %mul3A_6, %arg1 : i32
    %mul3A_7 = arith.constant 9984 : i32
    %mul3A_8 = arith.muli %add3A, %mul3A_7 : i32
    %scan3A = arith.constant 0 : i32
    %scan3A_9 = arith.constant 0 : i32
    %scan3A_10 = arith.constant 26 : i32
    %scan3A_11 = arith.addi %scan3A_9, %scan3A_10 : i32
    %scan3A_12 = arith.constant 1 : i32
    scf.for %scan3A_40 = %scan3A_9 to %scan3A_11 step %scan3A_12  : i32 {
      %mul3A_41 = arith.constant 384 : i32
      %mul3A_42 = arith.muli %scan3A_40, %mul3A_41 : i32
      %add3A_43 = arith.addi %mul3A_8, %mul3A_42 : i32
      %ge3A = arith.constant 1 : i32
      %ge3A_44 = arith.cmpi sge, %scan3A_40, %ge3A : i32
      %convert_element_type3A_45 = arith.extui %ge3A_44 : i1 to i32
      %cond3A_46 = arith.constant 0 : i32
      %cond3A_47 = arith.cmpi ne, %convert_element_type3A_45, %cond3A_46 : i32
      scf.if %cond3A_47 {
        %dma_wait3A_110 = arith.constant 0 : i32
        %dma_wait3A_111 = arith.constant 0 : i32
        %dma_wait3A_112 = tpu.memref_slice %arg7[%dma_wait3A_110, %dma_wait3A_111] : memref<10000x128xf32, #tpu.memory_space<vmem_shared>> -> memref<10000x128xf32, #tpu.memory_space<vmem_shared>>
        tpu.wait_indirect_dma semaphore(%arg19 : memref<!tpu.dma_semaphore, #tpu.memory_space<semaphore_mem>>) src(%arg14 : memref<128x128xf32, #tpu.memory_space<vmem>>) dst(%dma_wait3A_112 : memref<10000x128xf32, #tpu.memory_space<vmem_shared>>)
        %dma_wait3A_113 = arith.constant 0 : i32
        %dma_wait3A_114 = arith.constant 0 : i32
        %dma_wait3A_115 = tpu.memref_slice %arg7[%dma_wait3A_113, %dma_wait3A_114] : memref<10000x128xf32, #tpu.memory_space<vmem_shared>> -> memref<10000x128xf32, #tpu.memory_space<vmem_shared>>
        tpu.wait_indirect_dma semaphore(%arg19 : memref<!tpu.dma_semaphore, #tpu.memory_space<semaphore_mem>>) src(%arg15 : memref<128x128xf32, #tpu.memory_space<vmem>>) dst(%dma_wait3A_115 : memref<10000x128xf32, #tpu.memory_space<vmem_shared>>)
        %dma_wait3A_116 = arith.constant 0 : i32
        %dma_wait3A_117 = arith.constant 0 : i32
        %dma_wait3A_118 = tpu.memref_slice %arg7[%dma_wait3A_116, %dma_wait3A_117] : memref<10000x128xf32, #tpu.memory_space<vmem_shared>> -> memref<10000x128xf32, #tpu.memory_space<vmem_shared>>
        tpu.wait_indirect_dma semaphore(%arg19 : memref<!tpu.dma_semaphore, #tpu.memory_space<semaphore_mem>>) src(%arg16 : memref<128x128xf32, #tpu.memory_space<vmem>>) dst(%dma_wait3A_118 : memref<10000x128xf32, #tpu.memory_space<vmem_shared>>)
      } else {
      }
      %add3A_48 = arith.constant 0 : i32
      %add3A_49 = arith.addi %add3A_43, %add3A_48 : i32
      %dma_start3A = tpu.memref_slice %arg3[%add3A_49] : memref<320000xi32, #tpu.memory_space<hbm>> -> memref<128xi32, #tpu.memory_space<hbm>>
      %dma_start3A_50 = tpu.memref_slice %arg3[%add3A_49] : memref<320000xi32, #tpu.memory_space<hbm>> -> memref<128xi32, #tpu.memory_space<hbm>>
      tpu.enqueue_dma source(%dma_start3A_50 : memref<128xi32, #tpu.memory_space<hbm>>) target(%arg8 : memref<128xi32, #tpu.memory_space<vmem>>) target_semaphore(%arg17 : memref<!tpu.dma_semaphore, #tpu.memory_space<semaphore_mem>>)
      %add3A_51 = arith.constant 0 : i32
      %add3A_52 = arith.addi %add3A_43, %add3A_51 : i32
      %dma_start3A_53 = tpu.memref_slice %arg4[%add3A_52] : memref<320000xi32, #tpu.memory_space<hbm>> -> memref<128xi32, #tpu.memory_space<hbm>>
      %dma_start3A_54 = tpu.memref_slice %arg4[%add3A_52] : memref<320000xi32, #tpu.memory_space<hbm>> -> memref<128xi32, #tpu.memory_space<hbm>>
      tpu.enqueue_dma source(%dma_start3A_54 : memref<128xi32, #tpu.memory_space<hbm>>) target(%arg11 : memref<128xi32, #tpu.memory_space<vmem>>) target_semaphore(%arg17 : memref<!tpu.dma_semaphore, #tpu.memory_space<semaphore_mem>>)
      %add3A_55 = arith.constant 128 : i32
      %add3A_56 = arith.addi %add3A_43, %add3A_55 : i32
      %dma_start3A_57 = tpu.memref_slice %arg3[%add3A_56] : memref<320000xi32, #tpu.memory_space<hbm>> -> memref<128xi32, #tpu.memory_space<hbm>>
      %dma_start3A_58 = tpu.memref_slice %arg3[%add3A_56] : memref<320000xi32, #tpu.memory_space<hbm>> -> memref<128xi32, #tpu.memory_space<hbm>>
      tpu.enqueue_dma source(%dma_start3A_58 : memref<128xi32, #tpu.memory_space<hbm>>) target(%arg9 : memref<128xi32, #tpu.memory_space<vmem>>) target_semaphore(%arg17 : memref<!tpu.dma_semaphore, #tpu.memory_space<semaphore_mem>>)
      %add3A_59 = arith.constant 128 : i32
      %add3A_60 = arith.addi %add3A_43, %add3A_59 : i32
      %dma_start3A_61 = tpu.memref_slice %arg4[%add3A_60] : memref<320000xi32, #tpu.memory_space<hbm>> -> memref<128xi32, #tpu.memory_space<hbm>>
      %dma_start3A_62 = tpu.memref_slice %arg4[%add3A_60] : memref<320000xi32, #tpu.memory_space<hbm>> -> memref<128xi32, #tpu.memory_space<hbm>>
      tpu.enqueue_dma source(%dma_start3A_62 : memref<128xi32, #tpu.memory_space<hbm>>) target(%arg12 : memref<128xi32, #tpu.memory_space<vmem>>) target_semaphore(%arg17 : memref<!tpu.dma_semaphore, #tpu.memory_space<semaphore_mem>>)
      %add3A_63 = arith.constant 256 : i32
      %add3A_64 = arith.addi %add3A_43, %add3A_63 : i32
      %dma_start3A_65 = tpu.memref_slice %arg3[%add3A_64] : memref<320000xi32, #tpu.memory_space<hbm>> -> memref<128xi32, #tpu.memory_space<hbm>>
      %dma_start3A_66 = tpu.memref_slice %arg3[%add3A_64] : memref<320000xi32, #tpu.memory_space<hbm>> -> memref<128xi32, #tpu.memory_space<hbm>>
      tpu.enqueue_dma source(%dma_start3A_66 : memref<128xi32, #tpu.memory_space<hbm>>) target(%arg10 : memref<128xi32, #tpu.memory_space<vmem>>) target_semaphore(%arg17 : memref<!tpu.dma_semaphore, #tpu.memory_space<semaphore_mem>>)
      %add3A_67 = arith.constant 256 : i32
      %add3A_68 = arith.addi %add3A_43, %add3A_67 : i32
      %dma_start3A_69 = tpu.memref_slice %arg4[%add3A_68] : memref<320000xi32, #tpu.memory_space<hbm>> -> memref<128xi32, #tpu.memory_space<hbm>>
      %dma_start3A_70 = tpu.memref_slice %arg4[%add3A_68] : memref<320000xi32, #tpu.memory_space<hbm>> -> memref<128xi32, #tpu.memory_space<hbm>>
      tpu.enqueue_dma source(%dma_start3A_70 : memref<128xi32, #tpu.memory_space<hbm>>) target(%arg13 : memref<128xi32, #tpu.memory_space<vmem>>) target_semaphore(%arg17 : memref<!tpu.dma_semaphore, #tpu.memory_space<semaphore_mem>>)
      %dma_wait3A_71 = tpu.memref_slice %arg3[%add3A_49] : memref<320000xi32, #tpu.memory_space<hbm>> -> memref<128xi32, #tpu.memory_space<hbm>>
      %dma_wait3A_72 = tpu.memref_slice %arg3[%add3A_49] : memref<320000xi32, #tpu.memory_space<hbm>> -> memref<128xi32, #tpu.memory_space<hbm>>
      tpu.wait_dma2 semaphore(%arg17 : memref<!tpu.dma_semaphore, #tpu.memory_space<semaphore_mem>>) src(%dma_wait3A_72 : memref<128xi32, #tpu.memory_space<hbm>>) dst(%arg8 : memref<128xi32, #tpu.memory_space<vmem>>)
      %dma_wait3A_73 = tpu.memref_slice %arg4[%add3A_52] : memref<320000xi32, #tpu.memory_space<hbm>> -> memref<128xi32, #tpu.memory_space<hbm>>
      %dma_wait3A_74 = tpu.memref_slice %arg4[%add3A_52] : memref<320000xi32, #tpu.memory_space<hbm>> -> memref<128xi32, #tpu.memory_space<hbm>>
      tpu.wait_dma2 semaphore(%arg17 : memref<!tpu.dma_semaphore, #tpu.memory_space<semaphore_mem>>) src(%dma_wait3A_74 : memref<128xi32, #tpu.memory_space<hbm>>) dst(%arg11 : memref<128xi32, #tpu.memory_space<vmem>>)
      %dma_wait3A_75 = tpu.memref_slice %arg3[%add3A_56] : memref<320000xi32, #tpu.memory_space<hbm>> -> memref<128xi32, #tpu.memory_space<hbm>>
      %dma_wait3A_76 = tpu.memref_slice %arg3[%add3A_56] : memref<320000xi32, #tpu.memory_space<hbm>> -> memref<128xi32, #tpu.memory_space<hbm>>
      tpu.wait_dma2 semaphore(%arg17 : memref<!tpu.dma_semaphore, #tpu.memory_space<semaphore_mem>>) src(%dma_wait3A_76 : memref<128xi32, #tpu.memory_space<hbm>>) dst(%arg9 : memref<128xi32, #tpu.memory_space<vmem>>)
      %dma_wait3A_77 = tpu.memref_slice %arg4[%add3A_60] : memref<320000xi32, #tpu.memory_space<hbm>> -> memref<128xi32, #tpu.memory_space<hbm>>
      %dma_wait3A_78 = tpu.memref_slice %arg4[%add3A_60] : memref<320000xi32, #tpu.memory_space<hbm>> -> memref<128xi32, #tpu.memory_space<hbm>>
      tpu.wait_dma2 semaphore(%arg17 : memref<!tpu.dma_semaphore, #tpu.memory_space<semaphore_mem>>) src(%dma_wait3A_78 : memref<128xi32, #tpu.memory_space<hbm>>) dst(%arg12 : memref<128xi32, #tpu.memory_space<vmem>>)
      %dma_wait3A_79 = tpu.memref_slice %arg3[%add3A_64] : memref<320000xi32, #tpu.memory_space<hbm>> -> memref<128xi32, #tpu.memory_space<hbm>>
      %dma_wait3A_80 = tpu.memref_slice %arg3[%add3A_64] : memref<320000xi32, #tpu.memory_space<hbm>> -> memref<128xi32, #tpu.memory_space<hbm>>
      tpu.wait_dma2 semaphore(%arg17 : memref<!tpu.dma_semaphore, #tpu.memory_space<semaphore_mem>>) src(%dma_wait3A_80 : memref<128xi32, #tpu.memory_space<hbm>>) dst(%arg10 : memref<128xi32, #tpu.memory_space<vmem>>)
      %dma_wait3A_81 = tpu.memref_slice %arg4[%add3A_68] : memref<320000xi32, #tpu.memory_space<hbm>> -> memref<128xi32, #tpu.memory_space<hbm>>
      %dma_wait3A_82 = tpu.memref_slice %arg4[%add3A_68] : memref<320000xi32, #tpu.memory_space<hbm>> -> memref<128xi32, #tpu.memory_space<hbm>>
      tpu.wait_dma2 semaphore(%arg17 : memref<!tpu.dma_semaphore, #tpu.memory_space<semaphore_mem>>) src(%dma_wait3A_82 : memref<128xi32, #tpu.memory_space<hbm>>) dst(%arg13 : memref<128xi32, #tpu.memory_space<vmem>>)
      %dma_start3A_83 = arith.constant 0 : i32
      %dma_start3A_84 = arith.constant 0 : i32
      %dma_start3A_85 = tpu.memref_slice %arg2[%dma_start3A_83, %dma_start3A_84] : memref<10000x128xf32, #tpu.memory_space<hbm>> -> memref<10000x128xf32, #tpu.memory_space<hbm>>
      tpu.enqueue_indirect_dma source(%dma_start3A_85 : memref<10000x128xf32, #tpu.memory_space<hbm>>) target(%arg14 : memref<128x128xf32, #tpu.memory_space<vmem>>) offsets(%arg8 : memref<128xi32, #tpu.memory_space<vmem>>) semaphore(%arg18 : memref<!tpu.dma_semaphore, #tpu.memory_space<semaphore_mem>>)
      %dma_start3A_86 = arith.constant 0 : i32
      %dma_start3A_87 = arith.constant 0 : i32
      %dma_start3A_88 = tpu.memref_slice %arg2[%dma_start3A_86, %dma_start3A_87] : memref<10000x128xf32, #tpu.memory_space<hbm>> -> memref<10000x128xf32, #tpu.memory_space<hbm>>
      tpu.enqueue_indirect_dma source(%dma_start3A_88 : memref<10000x128xf32, #tpu.memory_space<hbm>>) target(%arg15 : memref<128x128xf32, #tpu.memory_space<vmem>>) offsets(%arg9 : memref<128xi32, #tpu.memory_space<vmem>>) semaphore(%arg18 : memref<!tpu.dma_semaphore, #tpu.memory_space<semaphore_mem>>)
      %dma_start3A_89 = arith.constant 0 : i32
      %dma_start3A_90 = arith.constant 0 : i32
      %dma_start3A_91 = tpu.memref_slice %arg2[%dma_start3A_89, %dma_start3A_90] : memref<10000x128xf32, #tpu.memory_space<hbm>> -> memref<10000x128xf32, #tpu.memory_space<hbm>>
      tpu.enqueue_indirect_dma source(%dma_start3A_91 : memref<10000x128xf32, #tpu.memory_space<hbm>>) target(%arg16 : memref<128x128xf32, #tpu.memory_space<vmem>>) offsets(%arg10 : memref<128xi32, #tpu.memory_space<vmem>>) semaphore(%arg18 : memref<!tpu.dma_semaphore, #tpu.memory_space<semaphore_mem>>)
      %dma_wait3A_92 = arith.constant 0 : i32
      %dma_wait3A_93 = arith.constant 0 : i32
      %dma_wait3A_94 = tpu.memref_slice %arg2[%dma_wait3A_92, %dma_wait3A_93] : memref<10000x128xf32, #tpu.memory_space<hbm>> -> memref<10000x128xf32, #tpu.memory_space<hbm>>
      tpu.wait_indirect_dma semaphore(%arg18 : memref<!tpu.dma_semaphore, #tpu.memory_space<semaphore_mem>>) src(%dma_wait3A_94 : memref<10000x128xf32, #tpu.memory_space<hbm>>) dst(%arg14 : memref<128x128xf32, #tpu.memory_space<vmem>>)
      %dma_wait3A_95 = arith.constant 0 : i32
      %dma_wait3A_96 = arith.constant 0 : i32
      %dma_wait3A_97 = tpu.memref_slice %arg2[%dma_wait3A_95, %dma_wait3A_96] : memref<10000x128xf32, #tpu.memory_space<hbm>> -> memref<10000x128xf32, #tpu.memory_space<hbm>>
      tpu.wait_indirect_dma semaphore(%arg18 : memref<!tpu.dma_semaphore, #tpu.memory_space<semaphore_mem>>) src(%dma_wait3A_97 : memref<10000x128xf32, #tpu.memory_space<hbm>>) dst(%arg15 : memref<128x128xf32, #tpu.memory_space<vmem>>)
      %dma_wait3A_98 = arith.constant 0 : i32
      %dma_wait3A_99 = arith.constant 0 : i32
      %dma_wait3A_100 = tpu.memref_slice %arg2[%dma_wait3A_98, %dma_wait3A_99] : memref<10000x128xf32, #tpu.memory_space<hbm>> -> memref<10000x128xf32, #tpu.memory_space<hbm>>
      tpu.wait_indirect_dma semaphore(%arg18 : memref<!tpu.dma_semaphore, #tpu.memory_space<semaphore_mem>>) src(%dma_wait3A_100 : memref<10000x128xf32, #tpu.memory_space<hbm>>) dst(%arg16 : memref<128x128xf32, #tpu.memory_space<vmem>>)
      %dma_start3A_101 = arith.constant 0 : i32
      %dma_start3A_102 = arith.constant 0 : i32
      %dma_start3A_103 = tpu.memref_slice %arg7[%dma_start3A_101, %dma_start3A_102] : memref<10000x128xf32, #tpu.memory_space<vmem_shared>> -> memref<10000x128xf32, #tpu.memory_space<vmem_shared>>
      tpu.enqueue_indirect_dma source(%arg14 : memref<128x128xf32, #tpu.memory_space<vmem>>) target(%dma_start3A_103 : memref<10000x128xf32, #tpu.memory_space<vmem_shared>>) offsets(%arg11 : memref<128xi32, #tpu.memory_space<vmem>>) semaphore(%arg19 : memref<!tpu.dma_semaphore, #tpu.memory_space<semaphore_mem>>) {add = true}
      %dma_start3A_104 = arith.constant 0 : i32
      %dma_start3A_105 = arith.constant 0 : i32
      %dma_start3A_106 = tpu.memref_slice %arg7[%dma_start3A_104, %dma_start3A_105] : memref<10000x128xf32, #tpu.memory_space<vmem_shared>> -> memref<10000x128xf32, #tpu.memory_space<vmem_shared>>
      tpu.enqueue_indirect_dma source(%arg15 : memref<128x128xf32, #tpu.memory_space<vmem>>) target(%dma_start3A_106 : memref<10000x128xf32, #tpu.memory_space<vmem_shared>>) offsets(%arg12 : memref<128xi32, #tpu.memory_space<vmem>>) semaphore(%arg19 : memref<!tpu.dma_semaphore, #tpu.memory_space<semaphore_mem>>) {add = true}
      %dma_start3A_107 = arith.constant 0 : i32
      %dma_start3A_108 = arith.constant 0 : i32
      %dma_start3A_109 = tpu.memref_slice %arg7[%dma_start3A_107, %dma_start3A_108] : memref<10000x128xf32, #tpu.memory_space<vmem_shared>> -> memref<10000x128xf32, #tpu.memory_space<vmem_shared>>
      tpu.enqueue_indirect_dma source(%arg16 : memref<128x128xf32, #tpu.memory_space<vmem>>) target(%dma_start3A_109 : memref<10000x128xf32, #tpu.memory_space<vmem_shared>>) offsets(%arg13 : memref<128xi32, #tpu.memory_space<vmem>>) semaphore(%arg19 : memref<!tpu.dma_semaphore, #tpu.memory_space<semaphore_mem>>) {add = true}
    }
    %scan3A_13 = arith.constant 26 : i32
    %dma_wait3A = arith.constant 0 : i32
    %dma_wait3A_14 = arith.constant 0 : i32
    %dma_wait3A_15 = tpu.memref_slice %arg7[%dma_wait3A, %dma_wait3A_14] : memref<10000x128xf32, #tpu.memory_space<vmem_shared>> -> memref<10000x128xf32, #tpu.memory_space<vmem_shared>>
    tpu.wait_indirect_dma semaphore(%arg19 : memref<!tpu.dma_semaphore, #tpu.memory_space<semaphore_mem>>) src(%arg14 : memref<128x128xf32, #tpu.memory_space<vmem>>) dst(%dma_wait3A_15 : memref<10000x128xf32, #tpu.memory_space<vmem_shared>>)
    %dma_wait3A_16 = arith.constant 0 : i32
    %dma_wait3A_17 = arith.constant 0 : i32
    %dma_wait3A_18 = tpu.memref_slice %arg7[%dma_wait3A_16, %dma_wait3A_17] : memref<10000x128xf32, #tpu.memory_space<vmem_shared>> -> memref<10000x128xf32, #tpu.memory_space<vmem_shared>>
    tpu.wait_indirect_dma semaphore(%arg19 : memref<!tpu.dma_semaphore, #tpu.memory_space<semaphore_mem>>) src(%arg15 : memref<128x128xf32, #tpu.memory_space<vmem>>) dst(%dma_wait3A_18 : memref<10000x128xf32, #tpu.memory_space<vmem_shared>>)
    %dma_wait3A_19 = arith.constant 0 : i32
    %dma_wait3A_20 = arith.constant 0 : i32
    %dma_wait3A_21 = tpu.memref_slice %arg7[%dma_wait3A_19, %dma_wait3A_20] : memref<10000x128xf32, #tpu.memory_space<vmem_shared>> -> memref<10000x128xf32, #tpu.memory_space<vmem_shared>>
    tpu.wait_indirect_dma semaphore(%arg19 : memref<!tpu.dma_semaphore, #tpu.memory_space<semaphore_mem>>) src(%arg16 : memref<128x128xf32, #tpu.memory_space<vmem>>) dst(%dma_wait3A_21 : memref<10000x128xf32, #tpu.memory_space<vmem_shared>>)
    %lt3A_22 = arith.constant 4 : i32
    %lt3A_23 = arith.cmpi slt, %add3A, %lt3A_22 : i32
    %convert_element_type3A_24 = arith.extui %lt3A_23 : i1 to i32
    %cond3A_25 = arith.constant 0 : i32
    %cond3A_26 = arith.cmpi ne, %convert_element_type3A_24, %cond3A_25 : i32
    scf.if %cond3A_26 {
      %add3A_40 = arith.constant 2496 : i32
      %add3A_41 = arith.addi %add3A_40, %add3A : i32
      %mul3A_42 = arith.constant 128 : i32
      %mul3A_43 = arith.muli %add3A_41, %mul3A_42 : i32
      "tpu.region"() ({
        %run_scoped3A = tpu.sem_alloc : memref<!tpu.dma_semaphore, #tpu.memory_space<semaphore_mem>>
        %dma_start3A_49 = tpu.memref_slice %arg3[%mul3A_43] : memref<320000xi32, #tpu.memory_space<hbm>> -> memref<128xi32, #tpu.memory_space<hbm>>
        %dma_start3A_50 = tpu.memref_slice %arg3[%mul3A_43] : memref<320000xi32, #tpu.memory_space<hbm>> -> memref<128xi32, #tpu.memory_space<hbm>>
        tpu.enqueue_dma source(%dma_start3A_50 : memref<128xi32, #tpu.memory_space<hbm>>) target(%arg8 : memref<128xi32, #tpu.memory_space<vmem>>) target_semaphore(%run_scoped3A : memref<!tpu.dma_semaphore, #tpu.memory_space<semaphore_mem>>)
        %dma_wait3A_51 = tpu.memref_slice %arg3[%mul3A_43] : memref<320000xi32, #tpu.memory_space<hbm>> -> memref<128xi32, #tpu.memory_space<hbm>>
        %dma_wait3A_52 = tpu.memref_slice %arg3[%mul3A_43] : memref<320000xi32, #tpu.memory_space<hbm>> -> memref<128xi32, #tpu.memory_space<hbm>>
        tpu.wait_dma2 semaphore(%run_scoped3A : memref<!tpu.dma_semaphore, #tpu.memory_space<semaphore_mem>>) src(%dma_wait3A_52 : memref<128xi32, #tpu.memory_space<hbm>>) dst(%arg8 : memref<128xi32, #tpu.memory_space<vmem>>)
        tpu.yield
      }) : () -> ()
      "tpu.region"() ({
        %run_scoped3A = tpu.sem_alloc : memref<!tpu.dma_semaphore, #tpu.memory_space<semaphore_mem>>
        %dma_start3A_49 = tpu.memref_slice %arg4[%mul3A_43] : memref<320000xi32, #tpu.memory_space<hbm>> -> memref<128xi32, #tpu.memory_space<hbm>>
        %dma_start3A_50 = tpu.memref_slice %arg4[%mul3A_43] : memref<320000xi32, #tpu.memory_space<hbm>> -> memref<128xi32, #tpu.memory_space<hbm>>
        tpu.enqueue_dma source(%dma_start3A_50 : memref<128xi32, #tpu.memory_space<hbm>>) target(%arg11 : memref<128xi32, #tpu.memory_space<vmem>>) target_semaphore(%run_scoped3A : memref<!tpu.dma_semaphore, #tpu.memory_space<semaphore_mem>>)
        %dma_wait3A_51 = tpu.memref_slice %arg4[%mul3A_43] : memref<320000xi32, #tpu.memory_space<hbm>> -> memref<128xi32, #tpu.memory_space<hbm>>
        %dma_wait3A_52 = tpu.memref_slice %arg4[%mul3A_43] : memref<320000xi32, #tpu.memory_space<hbm>> -> memref<128xi32, #tpu.memory_space<hbm>>
        tpu.wait_dma2 semaphore(%run_scoped3A : memref<!tpu.dma_semaphore, #tpu.memory_space<semaphore_mem>>) src(%dma_wait3A_52 : memref<128xi32, #tpu.memory_space<hbm>>) dst(%arg11 : memref<128xi32, #tpu.memory_space<vmem>>)
        tpu.yield
      }) : () -> ()
      %dma_start3A = arith.constant 0 : i32
      %dma_start3A_44 = arith.constant 0 : i32
      %dma_start3A_45 = tpu.memref_slice %arg2[%dma_start3A, %dma_start3A_44] : memref<10000x128xf32, #tpu.memory_space<hbm>> -> memref<10000x128xf32, #tpu.memory_space<hbm>>
      tpu.enqueue_indirect_dma source(%dma_start3A_45 : memref<10000x128xf32, #tpu.memory_space<hbm>>) target(%arg14 : memref<128x128xf32, #tpu.memory_space<vmem>>) offsets(%arg8 : memref<128xi32, #tpu.memory_space<vmem>>) semaphore(%arg18 : memref<!tpu.dma_semaphore, #tpu.memory_space<semaphore_mem>>)
      %dma_wait3A_46 = arith.constant 0 : i32
      %dma_wait3A_47 = arith.constant 0 : i32
      %dma_wait3A_48 = tpu.memref_slice %arg2[%dma_wait3A_46, %dma_wait3A_47] : memref<10000x128xf32, #tpu.memory_space<hbm>> -> memref<10000x128xf32, #tpu.memory_space<hbm>>
      tpu.wait_indirect_dma semaphore(%arg18 : memref<!tpu.dma_semaphore, #tpu.memory_space<semaphore_mem>>) src(%dma_wait3A_48 : memref<10000x128xf32, #tpu.memory_space<hbm>>) dst(%arg14 : memref<128x128xf32, #tpu.memory_space<vmem>>)
      "tpu.region"() ({
        %run_scoped3A = tpu.sem_alloc : memref<!tpu.dma_semaphore, #tpu.memory_space<semaphore_mem>>
        %dma_start3A_49 = arith.constant 0 : i32
        %dma_start3A_50 = arith.constant 0 : i32
        %dma_start3A_51 = tpu.memref_slice %arg7[%dma_start3A_49, %dma_start3A_50] : memref<10000x128xf32, #tpu.memory_space<vmem_shared>> -> memref<10000x128xf32, #tpu.memory_space<vmem_shared>>
        tpu.enqueue_indirect_dma source(%arg14 : memref<128x128xf32, #tpu.memory_space<vmem>>) target(%dma_start3A_51 : memref<10000x128xf32, #tpu.memory_space<vmem_shared>>) offsets(%arg11 : memref<128xi32, #tpu.memory_space<vmem>>) semaphore(%run_scoped3A : memref<!tpu.dma_semaphore, #tpu.memory_space<semaphore_mem>>) {add = true}
        %dma_wait3A_52 = arith.constant 0 : i32
        %dma_wait3A_53 = arith.constant 0 : i32
        %dma_wait3A_54 = tpu.memref_slice %arg7[%dma_wait3A_52, %dma_wait3A_53] : memref<10000x128xf32, #tpu.memory_space<vmem_shared>> -> memref<10000x128xf32, #tpu.memory_space<vmem_shared>>
        tpu.wait_indirect_dma semaphore(%run_scoped3A : memref<!tpu.dma_semaphore, #tpu.memory_space<semaphore_mem>>) src(%arg14 : memref<128x128xf32, #tpu.memory_space<vmem>>) dst(%dma_wait3A_54 : memref<10000x128xf32, #tpu.memory_space<vmem_shared>>)
        tpu.yield
      }) : () -> ()
    } else {
    }
    %barrier3A_27 = arith.constant 0 : index
    tpu.barrier barrier_id(%barrier3A_27)
    %mul3A_28 = arith.constant 10000 : i32
    %mul3A_29 = arith.muli %arg0, %mul3A_28 : i32
    %lt3A_30 = arith.constant 15 : i32
    %lt3A_31 = arith.cmpi slt, %arg1, %lt3A_30 : i32
    %convert_element_type3A_32 = arith.extui %lt3A_31 : i1 to i32
    %cond3A_33 = arith.constant 0 : i32
    %cond3A_34 = arith.cmpi ne, %convert_element_type3A_32, %cond3A_33 : i32
    scf.if %cond3A_34 {
      %mul3A_40 = arith.constant 624 : i32
      %mul3A_41 = arith.muli %arg1, %mul3A_40 : i32
      %multiple_of3A = tpu.assume_multiple %mul3A_41, 8 : i32
      %add3A_42 = arith.addi %mul3A_29, %multiple_of3A : i32
      %multiple_of3A_43 = tpu.assume_multiple %add3A_42, 8 : i32
      "tpu.region"() ({
        %run_scoped3A = tpu.sem_alloc : memref<!tpu.dma_semaphore, #tpu.memory_space<semaphore_mem>>
        %dma_start3A = arith.constant 0 : i32
        %dma_start3A_44 = tpu.memref_slice %arg6[%multiple_of3A_43, %dma_start3A] : memref<20000x128xf32, #tpu.memory_space<hbm>> -> memref<624x128xf32, #tpu.memory_space<hbm>>
        %dma_start3A_45 = arith.constant 0 : i32
        %dma_start3A_46 = tpu.memref_slice %arg7[%multiple_of3A, %dma_start3A_45] : memref<10000x128xf32, #tpu.memory_space<vmem_shared>> -> memref<624x128xf32, #tpu.memory_space<vmem_shared>>
        tpu.enqueue_dma source(%dma_start3A_46 : memref<624x128xf32, #tpu.memory_space<vmem_shared>>) target(%dma_start3A_44 : memref<624x128xf32, #tpu.memory_space<hbm>>) target_semaphore(%run_scoped3A : memref<!tpu.dma_semaphore, #tpu.memory_space<semaphore_mem>>)
        %dma_wait3A_47 = arith.constant 0 : i32
        %dma_wait3A_48 = tpu.memref_slice %arg6[%multiple_of3A_43, %dma_wait3A_47] : memref<20000x128xf32, #tpu.memory_space<hbm>> -> memref<624x128xf32, #tpu.memory_space<hbm>>
        %dma_wait3A_49 = arith.constant 0 : i32
        %dma_wait3A_50 = tpu.memref_slice %arg7[%multiple_of3A, %dma_wait3A_49] : memref<10000x128xf32, #tpu.memory_space<vmem_shared>> -> memref<624x128xf32, #tpu.memory_space<vmem_shared>>
        tpu.wait_dma2 semaphore(%run_scoped3A : memref<!tpu.dma_semaphore, #tpu.memory_space<semaphore_mem>>) src(%dma_wait3A_50 : memref<624x128xf32, #tpu.memory_space<vmem_shared>>) dst(%dma_wait3A_48 : memref<624x128xf32, #tpu.memory_space<hbm>>)
        tpu.yield
      }) : () -> ()
    } else {
    }
    %eq3A_35 = arith.constant 15 : i32
    %eq3A_36 = arith.cmpi eq, %arg1, %eq3A_35 : i32
    %convert_element_type3A_37 = arith.extui %eq3A_36 : i1 to i32
    %cond3A_38 = arith.constant 0 : i32
    %cond3A_39 = arith.cmpi ne, %convert_element_type3A_37, %cond3A_38 : i32
    scf.if %cond3A_39 {
      %add3A_40 = arith.constant 9360 : i32
      %add3A_41 = arith.addi %mul3A_29, %add3A_40 : i32
      %multiple_of3A = tpu.assume_multiple %add3A_41, 8 : i32
      "tpu.region"() ({
        %run_scoped3A = tpu.sem_alloc : memref<!tpu.dma_semaphore, #tpu.memory_space<semaphore_mem>>
        %dma_start3A = arith.constant 0 : i32
        %dma_start3A_42 = tpu.memref_slice %arg6[%multiple_of3A, %dma_start3A] : memref<20000x128xf32, #tpu.memory_space<hbm>> -> memref<640x128xf32, #tpu.memory_space<hbm>>
        %dma_start3A_43 = arith.constant 9360 : i32
        %dma_start3A_44 = arith.constant 0 : i32
        %dma_start3A_45 = tpu.memref_slice %arg7[%dma_start3A_43, %dma_start3A_44] : memref<10000x128xf32, #tpu.memory_space<vmem_shared>> -> memref<640x128xf32, #tpu.memory_space<vmem_shared>>
        tpu.enqueue_dma source(%dma_start3A_45 : memref<640x128xf32, #tpu.memory_space<vmem_shared>>) target(%dma_start3A_42 : memref<640x128xf32, #tpu.memory_space<hbm>>) target_semaphore(%run_scoped3A : memref<!tpu.dma_semaphore, #tpu.memory_space<semaphore_mem>>)
        %dma_wait3A_46 = arith.constant 0 : i32
        %dma_wait3A_47 = tpu.memref_slice %arg6[%multiple_of3A, %dma_wait3A_46] : memref<20000x128xf32, #tpu.memory_space<hbm>> -> memref<640x128xf32, #tpu.memory_space<hbm>>
        %dma_wait3A_48 = arith.constant 9360 : i32
        %dma_wait3A_49 = arith.constant 0 : i32
        %dma_wait3A_50 = tpu.memref_slice %arg7[%dma_wait3A_48, %dma_wait3A_49] : memref<10000x128xf32, #tpu.memory_space<vmem_shared>> -> memref<640x128xf32, #tpu.memory_space<vmem_shared>>
        tpu.wait_dma2 semaphore(%run_scoped3A : memref<!tpu.dma_semaphore, #tpu.memory_space<semaphore_mem>>) src(%dma_wait3A_50 : memref<640x128xf32, #tpu.memory_space<vmem_shared>>) dst(%dma_wait3A_47 : memref<640x128xf32, #tpu.memory_space<hbm>>)
        tpu.yield
      }) : () -> ()
    } else {
    }
    return
  }
}

#map = affine_map<(d0, d1) -> (0, 0)>
#map1 = affine_map<(d0, d1) -> (0)>
module attributes {stable_mosaic.version = 14 : i64} {
  func.func @_seg(%arg0: i32, %arg1: i32, %arg2: memref<10000x128xf32, #tpu.memory_space<hbm>>, %arg3: memref<320000xi32, #tpu.memory_space<hbm>>, %arg4: memref<320000xi32, #tpu.memory_space<hbm>>, %arg5: memref<10000x128xf32, #tpu.memory_space<hbm>>, %arg6: memref<20000x128xf32, #tpu.memory_space<hbm>>, %arg7: memref<10000x128xf32, #tpu.memory_space<vmem_shared>>, %arg8: memref<128xi32, #tpu.memory_space<vmem>>, %arg9: memref<128xi32, #tpu.memory_space<vmem>>, %arg10: memref<128xi32, #tpu.memory_space<vmem>>, %arg11: memref<128xi32, #tpu.memory_space<vmem>>, %arg12: memref<128xi32, #tpu.memory_space<vmem>>, %arg13: memref<128xi32, #tpu.memory_space<vmem>>, %arg14: memref<128x128xf32, #tpu.memory_space<vmem>>, %arg15: memref<128x128xf32, #tpu.memory_space<vmem>>, %arg16: memref<128x128xf32, #tpu.memory_space<vmem>>, %arg17: memref<!tpu.dma_semaphore, #tpu.memory_space<semaphore_mem>>, %arg18: memref<!tpu.dma_semaphore, #tpu.memory_space<semaphore_mem>>, %arg19: memref<!tpu.dma_semaphore, #tpu.memory_space<semaphore_mem>>) attributes {dimension_semantics = [#tpu.dimension_semantics<core_parallel>, #tpu.dimension_semantics<subcore_parallel>], iteration_bounds = array<i64: 2, 16>, scalar_prefetch = 0 : i64, scratch_operands = 13 : i64, tpu.core_type = #tpu.core_type<sc_vector_subcore>, window_params = [{transform_indices = #map}, {transform_indices = #map1}, {transform_indices = #map1}, {transform_indices = #map}, {transform_indices = #map}]} {
    %lt3A = arith.constant 15 : i32
    %lt3A_0 = arith.cmpi slt, %arg1, %lt3A : i32
    %convert_element_type3A = arith.extui %lt3A_0 : i1 to i32
    %cond3A = arith.constant 0 : i32
    %cond3A_1 = arith.cmpi ne, %convert_element_type3A, %cond3A : i32
    scf.if %cond3A_1 {
      %mul3A_40 = arith.constant 624 : i32
      %mul3A_41 = arith.muli %arg1, %mul3A_40 : i32
      %multiple_of3A = tpu.assume_multiple %mul3A_41, 8 : i32
      "tpu.region"() ({
        %run_scoped3A = tpu.sem_alloc : memref<!tpu.dma_semaphore, #tpu.memory_space<semaphore_mem>>
        %dma_start3A = arith.constant 0 : i32
        %dma_start3A_42 = tpu.memref_slice %arg7[%multiple_of3A, %dma_start3A] : memref<10000x128xf32, #tpu.memory_space<vmem_shared>> -> memref<624x128xf32, #tpu.memory_space<vmem_shared>>
        %dma_start3A_43 = arith.constant 0 : i32
        %dma_start3A_44 = tpu.memref_slice %arg5[%multiple_of3A, %dma_start3A_43] : memref<10000x128xf32, #tpu.memory_space<hbm>> -> memref<624x128xf32, #tpu.memory_space<hbm>>
        tpu.enqueue_dma source(%dma_start3A_44 : memref<624x128xf32, #tpu.memory_space<hbm>>) target(%dma_start3A_42 : memref<624x128xf32, #tpu.memory_space<vmem_shared>>) target_semaphore(%run_scoped3A : memref<!tpu.dma_semaphore, #tpu.memory_space<semaphore_mem>>)
        %dma_wait3A_45 = arith.constant 0 : i32
        %dma_wait3A_46 = tpu.memref_slice %arg7[%multiple_of3A, %dma_wait3A_45] : memref<10000x128xf32, #tpu.memory_space<vmem_shared>> -> memref<624x128xf32, #tpu.memory_space<vmem_shared>>
        %dma_wait3A_47 = arith.constant 0 : i32
        %dma_wait3A_48 = tpu.memref_slice %arg5[%multiple_of3A, %dma_wait3A_47] : memref<10000x128xf32, #tpu.memory_space<hbm>> -> memref<624x128xf32, #tpu.memory_space<hbm>>
        tpu.wait_dma2 semaphore(%run_scoped3A : memref<!tpu.dma_semaphore, #tpu.memory_space<semaphore_mem>>) src(%dma_wait3A_48 : memref<624x128xf32, #tpu.memory_space<hbm>>) dst(%dma_wait3A_46 : memref<624x128xf32, #tpu.memory_space<vmem_shared>>)
        tpu.yield
      }) : () -> ()
    } else {
    }
    %eq3A = arith.constant 15 : i32
    %eq3A_2 = arith.cmpi eq, %arg1, %eq3A : i32
    %convert_element_type3A_3 = arith.extui %eq3A_2 : i1 to i32
    %cond3A_4 = arith.constant 0 : i32
    %cond3A_5 = arith.cmpi ne, %convert_element_type3A_3, %cond3A_4 : i32
    scf.if %cond3A_5 {
      "tpu.region"() ({
        %run_scoped3A = tpu.sem_alloc : memref<!tpu.dma_semaphore, #tpu.memory_space<semaphore_mem>>
        %dma_start3A = arith.constant 9360 : i32
        %dma_start3A_40 = arith.constant 0 : i32
        %dma_start3A_41 = tpu.memref_slice %arg7[%dma_start3A, %dma_start3A_40] : memref<10000x128xf32, #tpu.memory_space<vmem_shared>> -> memref<640x128xf32, #tpu.memory_space<vmem_shared>>
        %dma_start3A_42 = arith.constant 9360 : i32
        %dma_start3A_43 = arith.constant 0 : i32
        %dma_start3A_44 = tpu.memref_slice %arg5[%dma_start3A_42, %dma_start3A_43] : memref<10000x128xf32, #tpu.memory_space<hbm>> -> memref<640x128xf32, #tpu.memory_space<hbm>>
        tpu.enqueue_dma source(%dma_start3A_44 : memref<640x128xf32, #tpu.memory_space<hbm>>) target(%dma_start3A_41 : memref<640x128xf32, #tpu.memory_space<vmem_shared>>) target_semaphore(%run_scoped3A : memref<!tpu.dma_semaphore, #tpu.memory_space<semaphore_mem>>)
        %dma_wait3A_45 = arith.constant 9360 : i32
        %dma_wait3A_46 = arith.constant 0 : i32
        %dma_wait3A_47 = tpu.memref_slice %arg7[%dma_wait3A_45, %dma_wait3A_46] : memref<10000x128xf32, #tpu.memory_space<vmem_shared>> -> memref<640x128xf32, #tpu.memory_space<vmem_shared>>
        %dma_wait3A_48 = arith.constant 9360 : i32
        %dma_wait3A_49 = arith.constant 0 : i32
        %dma_wait3A_50 = tpu.memref_slice %arg5[%dma_wait3A_48, %dma_wait3A_49] : memref<10000x128xf32, #tpu.memory_space<hbm>> -> memref<640x128xf32, #tpu.memory_space<hbm>>
        tpu.wait_dma2 semaphore(%run_scoped3A : memref<!tpu.dma_semaphore, #tpu.memory_space<semaphore_mem>>) src(%dma_wait3A_50 : memref<640x128xf32, #tpu.memory_space<hbm>>) dst(%dma_wait3A_47 : memref<640x128xf32, #tpu.memory_space<vmem_shared>>)
        tpu.yield
      }) : () -> ()
    } else {
    }
    %barrier3A = arith.constant 0 : index
    tpu.barrier barrier_id(%barrier3A)
    %mul3A = arith.constant 16 : i32
    %mul3A_6 = arith.muli %arg0, %mul3A : i32
    %add3A = arith.addi %mul3A_6, %arg1 : i32
    %mul3A_7 = arith.constant 9984 : i32
    %mul3A_8 = arith.muli %add3A, %mul3A_7 : i32
    %scan3A = arith.constant 0 : i32
    %scan3A_9 = arith.constant 0 : i32
    %scan3A_10 = arith.constant 26 : i32
    %scan3A_11 = arith.addi %scan3A_9, %scan3A_10 : i32
    %scan3A_12 = arith.constant 1 : i32
    scf.for %scan3A_40 = %scan3A_9 to %scan3A_11 step %scan3A_12  : i32 {
      %mul3A_41 = arith.constant 384 : i32
      %mul3A_42 = arith.muli %scan3A_40, %mul3A_41 : i32
      %add3A_43 = arith.addi %mul3A_8, %mul3A_42 : i32
      %ge3A = arith.constant 1 : i32
      %ge3A_44 = arith.cmpi sge, %scan3A_40, %ge3A : i32
      %convert_element_type3A_45 = arith.extui %ge3A_44 : i1 to i32
      %cond3A_46 = arith.constant 0 : i32
      %cond3A_47 = arith.cmpi ne, %convert_element_type3A_45, %cond3A_46 : i32
      scf.if %cond3A_47 {
        %dma_wait3A_110 = arith.constant 0 : i32
        %dma_wait3A_111 = arith.constant 0 : i32
        %dma_wait3A_112 = tpu.memref_slice %arg7[%dma_wait3A_110, %dma_wait3A_111] : memref<10000x128xf32, #tpu.memory_space<vmem_shared>> -> memref<10000x128xf32, #tpu.memory_space<vmem_shared>>
        tpu.wait_indirect_dma semaphore(%arg19 : memref<!tpu.dma_semaphore, #tpu.memory_space<semaphore_mem>>) src(%arg14 : memref<128x128xf32, #tpu.memory_space<vmem>>) dst(%dma_wait3A_112 : memref<10000x128xf32, #tpu.memory_space<vmem_shared>>)
        %dma_wait3A_113 = arith.constant 0 : i32
        %dma_wait3A_114 = arith.constant 0 : i32
        %dma_wait3A_115 = tpu.memref_slice %arg7[%dma_wait3A_113, %dma_wait3A_114] : memref<10000x128xf32, #tpu.memory_space<vmem_shared>> -> memref<10000x128xf32, #tpu.memory_space<vmem_shared>>
        tpu.wait_indirect_dma semaphore(%arg19 : memref<!tpu.dma_semaphore, #tpu.memory_space<semaphore_mem>>) src(%arg15 : memref<128x128xf32, #tpu.memory_space<vmem>>) dst(%dma_wait3A_115 : memref<10000x128xf32, #tpu.memory_space<vmem_shared>>)
        %dma_wait3A_116 = arith.constant 0 : i32
        %dma_wait3A_117 = arith.constant 0 : i32
        %dma_wait3A_118 = tpu.memref_slice %arg7[%dma_wait3A_116, %dma_wait3A_117] : memref<10000x128xf32, #tpu.memory_space<vmem_shared>> -> memref<10000x128xf32, #tpu.memory_space<vmem_shared>>
        tpu.wait_indirect_dma semaphore(%arg19 : memref<!tpu.dma_semaphore, #tpu.memory_space<semaphore_mem>>) src(%arg16 : memref<128x128xf32, #tpu.memory_space<vmem>>) dst(%dma_wait3A_118 : memref<10000x128xf32, #tpu.memory_space<vmem_shared>>)
      } else {
      }
      %add3A_48 = arith.constant 0 : i32
      %add3A_49 = arith.addi %add3A_43, %add3A_48 : i32
      %dma_start3A = tpu.memref_slice %arg3[%add3A_49] : memref<320000xi32, #tpu.memory_space<hbm>> -> memref<128xi32, #tpu.memory_space<hbm>>
      %dma_start3A_50 = tpu.memref_slice %arg3[%add3A_49] : memref<320000xi32, #tpu.memory_space<hbm>> -> memref<128xi32, #tpu.memory_space<hbm>>
      tpu.enqueue_dma source(%dma_start3A_50 : memref<128xi32, #tpu.memory_space<hbm>>) target(%arg8 : memref<128xi32, #tpu.memory_space<vmem>>) target_semaphore(%arg17 : memref<!tpu.dma_semaphore, #tpu.memory_space<semaphore_mem>>)
      %add3A_51 = arith.constant 0 : i32
      %add3A_52 = arith.addi %add3A_43, %add3A_51 : i32
      %dma_start3A_53 = tpu.memref_slice %arg4[%add3A_52] : memref<320000xi32, #tpu.memory_space<hbm>> -> memref<128xi32, #tpu.memory_space<hbm>>
      %dma_start3A_54 = tpu.memref_slice %arg4[%add3A_52] : memref<320000xi32, #tpu.memory_space<hbm>> -> memref<128xi32, #tpu.memory_space<hbm>>
      tpu.enqueue_dma source(%dma_start3A_54 : memref<128xi32, #tpu.memory_space<hbm>>) target(%arg11 : memref<128xi32, #tpu.memory_space<vmem>>) target_semaphore(%arg17 : memref<!tpu.dma_semaphore, #tpu.memory_space<semaphore_mem>>)
      %add3A_55 = arith.constant 128 : i32
      %add3A_56 = arith.addi %add3A_43, %add3A_55 : i32
      %dma_start3A_57 = tpu.memref_slice %arg3[%add3A_56] : memref<320000xi32, #tpu.memory_space<hbm>> -> memref<128xi32, #tpu.memory_space<hbm>>
      %dma_start3A_58 = tpu.memref_slice %arg3[%add3A_56] : memref<320000xi32, #tpu.memory_space<hbm>> -> memref<128xi32, #tpu.memory_space<hbm>>
      tpu.enqueue_dma source(%dma_start3A_58 : memref<128xi32, #tpu.memory_space<hbm>>) target(%arg9 : memref<128xi32, #tpu.memory_space<vmem>>) target_semaphore(%arg17 : memref<!tpu.dma_semaphore, #tpu.memory_space<semaphore_mem>>)
      %add3A_59 = arith.constant 128 : i32
      %add3A_60 = arith.addi %add3A_43, %add3A_59 : i32
      %dma_start3A_61 = tpu.memref_slice %arg4[%add3A_60] : memref<320000xi32, #tpu.memory_space<hbm>> -> memref<128xi32, #tpu.memory_space<hbm>>
      %dma_start3A_62 = tpu.memref_slice %arg4[%add3A_60] : memref<320000xi32, #tpu.memory_space<hbm>> -> memref<128xi32, #tpu.memory_space<hbm>>
      tpu.enqueue_dma source(%dma_start3A_62 : memref<128xi32, #tpu.memory_space<hbm>>) target(%arg12 : memref<128xi32, #tpu.memory_space<vmem>>) target_semaphore(%arg17 : memref<!tpu.dma_semaphore, #tpu.memory_space<semaphore_mem>>)
      %add3A_63 = arith.constant 256 : i32
      %add3A_64 = arith.addi %add3A_43, %add3A_63 : i32
      %dma_start3A_65 = tpu.memref_slice %arg3[%add3A_64] : memref<320000xi32, #tpu.memory_space<hbm>> -> memref<128xi32, #tpu.memory_space<hbm>>
      %dma_start3A_66 = tpu.memref_slice %arg3[%add3A_64] : memref<320000xi32, #tpu.memory_space<hbm>> -> memref<128xi32, #tpu.memory_space<hbm>>
      tpu.enqueue_dma source(%dma_start3A_66 : memref<128xi32, #tpu.memory_space<hbm>>) target(%arg10 : memref<128xi32, #tpu.memory_space<vmem>>) target_semaphore(%arg17 : memref<!tpu.dma_semaphore, #tpu.memory_space<semaphore_mem>>)
      %add3A_67 = arith.constant 256 : i32
      %add3A_68 = arith.addi %add3A_43, %add3A_67 : i32
      %dma_start3A_69 = tpu.memref_slice %arg4[%add3A_68] : memref<320000xi32, #tpu.memory_space<hbm>> -> memref<128xi32, #tpu.memory_space<hbm>>
      %dma_start3A_70 = tpu.memref_slice %arg4[%add3A_68] : memref<320000xi32, #tpu.memory_space<hbm>> -> memref<128xi32, #tpu.memory_space<hbm>>
      tpu.enqueue_dma source(%dma_start3A_70 : memref<128xi32, #tpu.memory_space<hbm>>) target(%arg13 : memref<128xi32, #tpu.memory_space<vmem>>) target_semaphore(%arg17 : memref<!tpu.dma_semaphore, #tpu.memory_space<semaphore_mem>>)
      %dma_wait3A_71 = tpu.memref_slice %arg3[%add3A_49] : memref<320000xi32, #tpu.memory_space<hbm>> -> memref<128xi32, #tpu.memory_space<hbm>>
      %dma_wait3A_72 = tpu.memref_slice %arg3[%add3A_49] : memref<320000xi32, #tpu.memory_space<hbm>> -> memref<128xi32, #tpu.memory_space<hbm>>
      tpu.wait_dma2 semaphore(%arg17 : memref<!tpu.dma_semaphore, #tpu.memory_space<semaphore_mem>>) src(%dma_wait3A_72 : memref<128xi32, #tpu.memory_space<hbm>>) dst(%arg8 : memref<128xi32, #tpu.memory_space<vmem>>)
      %dma_wait3A_73 = tpu.memref_slice %arg4[%add3A_52] : memref<320000xi32, #tpu.memory_space<hbm>> -> memref<128xi32, #tpu.memory_space<hbm>>
      %dma_wait3A_74 = tpu.memref_slice %arg4[%add3A_52] : memref<320000xi32, #tpu.memory_space<hbm>> -> memref<128xi32, #tpu.memory_space<hbm>>
      tpu.wait_dma2 semaphore(%arg17 : memref<!tpu.dma_semaphore, #tpu.memory_space<semaphore_mem>>) src(%dma_wait3A_74 : memref<128xi32, #tpu.memory_space<hbm>>) dst(%arg11 : memref<128xi32, #tpu.memory_space<vmem>>)
      %dma_wait3A_75 = tpu.memref_slice %arg3[%add3A_56] : memref<320000xi32, #tpu.memory_space<hbm>> -> memref<128xi32, #tpu.memory_space<hbm>>
      %dma_wait3A_76 = tpu.memref_slice %arg3[%add3A_56] : memref<320000xi32, #tpu.memory_space<hbm>> -> memref<128xi32, #tpu.memory_space<hbm>>
      tpu.wait_dma2 semaphore(%arg17 : memref<!tpu.dma_semaphore, #tpu.memory_space<semaphore_mem>>) src(%dma_wait3A_76 : memref<128xi32, #tpu.memory_space<hbm>>) dst(%arg9 : memref<128xi32, #tpu.memory_space<vmem>>)
      %dma_wait3A_77 = tpu.memref_slice %arg4[%add3A_60] : memref<320000xi32, #tpu.memory_space<hbm>> -> memref<128xi32, #tpu.memory_space<hbm>>
      %dma_wait3A_78 = tpu.memref_slice %arg4[%add3A_60] : memref<320000xi32, #tpu.memory_space<hbm>> -> memref<128xi32, #tpu.memory_space<hbm>>
      tpu.wait_dma2 semaphore(%arg17 : memref<!tpu.dma_semaphore, #tpu.memory_space<semaphore_mem>>) src(%dma_wait3A_78 : memref<128xi32, #tpu.memory_space<hbm>>) dst(%arg12 : memref<128xi32, #tpu.memory_space<vmem>>)
      %dma_wait3A_79 = tpu.memref_slice %arg3[%add3A_64] : memref<320000xi32, #tpu.memory_space<hbm>> -> memref<128xi32, #tpu.memory_space<hbm>>
      %dma_wait3A_80 = tpu.memref_slice %arg3[%add3A_64] : memref<320000xi32, #tpu.memory_space<hbm>> -> memref<128xi32, #tpu.memory_space<hbm>>
      tpu.wait_dma2 semaphore(%arg17 : memref<!tpu.dma_semaphore, #tpu.memory_space<semaphore_mem>>) src(%dma_wait3A_80 : memref<128xi32, #tpu.memory_space<hbm>>) dst(%arg10 : memref<128xi32, #tpu.memory_space<vmem>>)
      %dma_wait3A_81 = tpu.memref_slice %arg4[%add3A_68] : memref<320000xi32, #tpu.memory_space<hbm>> -> memref<128xi32, #tpu.memory_space<hbm>>
      %dma_wait3A_82 = tpu.memref_slice %arg4[%add3A_68] : memref<320000xi32, #tpu.memory_space<hbm>> -> memref<128xi32, #tpu.memory_space<hbm>>
      tpu.wait_dma2 semaphore(%arg17 : memref<!tpu.dma_semaphore, #tpu.memory_space<semaphore_mem>>) src(%dma_wait3A_82 : memref<128xi32, #tpu.memory_space<hbm>>) dst(%arg13 : memref<128xi32, #tpu.memory_space<vmem>>)
      %dma_start3A_83 = arith.constant 0 : i32
      %dma_start3A_84 = arith.constant 0 : i32
      %dma_start3A_85 = tpu.memref_slice %arg2[%dma_start3A_83, %dma_start3A_84] : memref<10000x128xf32, #tpu.memory_space<hbm>> -> memref<10000x128xf32, #tpu.memory_space<hbm>>
      tpu.enqueue_indirect_dma source(%dma_start3A_85 : memref<10000x128xf32, #tpu.memory_space<hbm>>) target(%arg14 : memref<128x128xf32, #tpu.memory_space<vmem>>) offsets(%arg8 : memref<128xi32, #tpu.memory_space<vmem>>) semaphore(%arg18 : memref<!tpu.dma_semaphore, #tpu.memory_space<semaphore_mem>>)
      %dma_start3A_86 = arith.constant 0 : i32
      %dma_start3A_87 = arith.constant 0 : i32
      %dma_start3A_88 = tpu.memref_slice %arg2[%dma_start3A_86, %dma_start3A_87] : memref<10000x128xf32, #tpu.memory_space<hbm>> -> memref<10000x128xf32, #tpu.memory_space<hbm>>
      tpu.enqueue_indirect_dma source(%dma_start3A_88 : memref<10000x128xf32, #tpu.memory_space<hbm>>) target(%arg15 : memref<128x128xf32, #tpu.memory_space<vmem>>) offsets(%arg9 : memref<128xi32, #tpu.memory_space<vmem>>) semaphore(%arg18 : memref<!tpu.dma_semaphore, #tpu.memory_space<semaphore_mem>>)
      %dma_start3A_89 = arith.constant 0 : i32
      %dma_start3A_90 = arith.constant 0 : i32
      %dma_start3A_91 = tpu.memref_slice %arg2[%dma_start3A_89, %dma_start3A_90] : memref<10000x128xf32, #tpu.memory_space<hbm>> -> memref<10000x128xf32, #tpu.memory_space<hbm>>
      tpu.enqueue_indirect_dma source(%dma_start3A_91 : memref<10000x128xf32, #tpu.memory_space<hbm>>) target(%arg16 : memref<128x128xf32, #tpu.memory_space<vmem>>) offsets(%arg10 : memref<128xi32, #tpu.memory_space<vmem>>) semaphore(%arg18 : memref<!tpu.dma_semaphore, #tpu.memory_space<semaphore_mem>>)
      %dma_wait3A_92 = arith.constant 0 : i32
      %dma_wait3A_93 = arith.constant 0 : i32
      %dma_wait3A_94 = tpu.memref_slice %arg2[%dma_wait3A_92, %dma_wait3A_93] : memref<10000x128xf32, #tpu.memory_space<hbm>> -> memref<10000x128xf32, #tpu.memory_space<hbm>>
      tpu.wait_indirect_dma semaphore(%arg18 : memref<!tpu.dma_semaphore, #tpu.memory_space<semaphore_mem>>) src(%dma_wait3A_94 : memref<10000x128xf32, #tpu.memory_space<hbm>>) dst(%arg14 : memref<128x128xf32, #tpu.memory_space<vmem>>)
      %dma_wait3A_95 = arith.constant 0 : i32
      %dma_wait3A_96 = arith.constant 0 : i32
      %dma_wait3A_97 = tpu.memref_slice %arg2[%dma_wait3A_95, %dma_wait3A_96] : memref<10000x128xf32, #tpu.memory_space<hbm>> -> memref<10000x128xf32, #tpu.memory_space<hbm>>
      tpu.wait_indirect_dma semaphore(%arg18 : memref<!tpu.dma_semaphore, #tpu.memory_space<semaphore_mem>>) src(%dma_wait3A_97 : memref<10000x128xf32, #tpu.memory_space<hbm>>) dst(%arg15 : memref<128x128xf32, #tpu.memory_space<vmem>>)
      %dma_wait3A_98 = arith.constant 0 : i32
      %dma_wait3A_99 = arith.constant 0 : i32
      %dma_wait3A_100 = tpu.memref_slice %arg2[%dma_wait3A_98, %dma_wait3A_99] : memref<10000x128xf32, #tpu.memory_space<hbm>> -> memref<10000x128xf32, #tpu.memory_space<hbm>>
      tpu.wait_indirect_dma semaphore(%arg18 : memref<!tpu.dma_semaphore, #tpu.memory_space<semaphore_mem>>) src(%dma_wait3A_100 : memref<10000x128xf32, #tpu.memory_space<hbm>>) dst(%arg16 : memref<128x128xf32, #tpu.memory_space<vmem>>)
      %dma_start3A_101 = arith.constant 0 : i32
      %dma_start3A_102 = arith.constant 0 : i32
      %dma_start3A_103 = tpu.memref_slice %arg7[%dma_start3A_101, %dma_start3A_102] : memref<10000x128xf32, #tpu.memory_space<vmem_shared>> -> memref<10000x128xf32, #tpu.memory_space<vmem_shared>>
      tpu.enqueue_indirect_dma source(%arg14 : memref<128x128xf32, #tpu.memory_space<vmem>>) target(%dma_start3A_103 : memref<10000x128xf32, #tpu.memory_space<vmem_shared>>) offsets(%arg11 : memref<128xi32, #tpu.memory_space<vmem>>) semaphore(%arg19 : memref<!tpu.dma_semaphore, #tpu.memory_space<semaphore_mem>>) {add = true}
      %dma_start3A_104 = arith.constant 0 : i32
      %dma_start3A_105 = arith.constant 0 : i32
      %dma_start3A_106 = tpu.memref_slice %arg7[%dma_start3A_104, %dma_start3A_105] : memref<10000x128xf32, #tpu.memory_space<vmem_shared>> -> memref<10000x128xf32, #tpu.memory_space<vmem_shared>>
      tpu.enqueue_indirect_dma source(%arg15 : memref<128x128xf32, #tpu.memory_space<vmem>>) target(%dma_start3A_106 : memref<10000x128xf32, #tpu.memory_space<vmem_shared>>) offsets(%arg12 : memref<128xi32, #tpu.memory_space<vmem>>) semaphore(%arg19 : memref<!tpu.dma_semaphore, #tpu.memory_space<semaphore_mem>>) {add = true}
      %dma_start3A_107 = arith.constant 0 : i32
      %dma_start3A_108 = arith.constant 0 : i32
      %dma_start3A_109 = tpu.memref_slice %arg7[%dma_start3A_107, %dma_start3A_108] : memref<10000x128xf32, #tpu.memory_space<vmem_shared>> -> memref<10000x128xf32, #tpu.memory_space<vmem_shared>>
      tpu.enqueue_indirect_dma source(%arg16 : memref<128x128xf32, #tpu.memory_space<vmem>>) target(%dma_start3A_109 : memref<10000x128xf32, #tpu.memory_space<vmem_shared>>) offsets(%arg13 : memref<128xi32, #tpu.memory_space<vmem>>) semaphore(%arg19 : memref<!tpu.dma_semaphore, #tpu.memory_space<semaphore_mem>>) {add = true}
    }
    %scan3A_13 = arith.constant 26 : i32
    %dma_wait3A = arith.constant 0 : i32
    %dma_wait3A_14 = arith.constant 0 : i32
    %dma_wait3A_15 = tpu.memref_slice %arg7[%dma_wait3A, %dma_wait3A_14] : memref<10000x128xf32, #tpu.memory_space<vmem_shared>> -> memref<10000x128xf32, #tpu.memory_space<vmem_shared>>
    tpu.wait_indirect_dma semaphore(%arg19 : memref<!tpu.dma_semaphore, #tpu.memory_space<semaphore_mem>>) src(%arg14 : memref<128x128xf32, #tpu.memory_space<vmem>>) dst(%dma_wait3A_15 : memref<10000x128xf32, #tpu.memory_space<vmem_shared>>)
    %dma_wait3A_16 = arith.constant 0 : i32
    %dma_wait3A_17 = arith.constant 0 : i32
    %dma_wait3A_18 = tpu.memref_slice %arg7[%dma_wait3A_16, %dma_wait3A_17] : memref<10000x128xf32, #tpu.memory_space<vmem_shared>> -> memref<10000x128xf32, #tpu.memory_space<vmem_shared>>
    tpu.wait_indirect_dma semaphore(%arg19 : memref<!tpu.dma_semaphore, #tpu.memory_space<semaphore_mem>>) src(%arg15 : memref<128x128xf32, #tpu.memory_space<vmem>>) dst(%dma_wait3A_18 : memref<10000x128xf32, #tpu.memory_space<vmem_shared>>)
    %dma_wait3A_19 = arith.constant 0 : i32
    %dma_wait3A_20 = arith.constant 0 : i32
    %dma_wait3A_21 = tpu.memref_slice %arg7[%dma_wait3A_19, %dma_wait3A_20] : memref<10000x128xf32, #tpu.memory_space<vmem_shared>> -> memref<10000x128xf32, #tpu.memory_space<vmem_shared>>
    tpu.wait_indirect_dma semaphore(%arg19 : memref<!tpu.dma_semaphore, #tpu.memory_space<semaphore_mem>>) src(%arg16 : memref<128x128xf32, #tpu.memory_space<vmem>>) dst(%dma_wait3A_21 : memref<10000x128xf32, #tpu.memory_space<vmem_shared>>)
    %lt3A_22 = arith.constant 4 : i32
    %lt3A_23 = arith.cmpi slt, %add3A, %lt3A_22 : i32
    %convert_element_type3A_24 = arith.extui %lt3A_23 : i1 to i32
    %cond3A_25 = arith.constant 0 : i32
    %cond3A_26 = arith.cmpi ne, %convert_element_type3A_24, %cond3A_25 : i32
    scf.if %cond3A_26 {
      %add3A_40 = arith.constant 2496 : i32
      %add3A_41 = arith.addi %add3A_40, %add3A : i32
      %mul3A_42 = arith.constant 128 : i32
      %mul3A_43 = arith.muli %add3A_41, %mul3A_42 : i32
      "tpu.region"() ({
        %run_scoped3A = tpu.sem_alloc : memref<!tpu.dma_semaphore, #tpu.memory_space<semaphore_mem>>
        %dma_start3A_49 = tpu.memref_slice %arg3[%mul3A_43] : memref<320000xi32, #tpu.memory_space<hbm>> -> memref<128xi32, #tpu.memory_space<hbm>>
        %dma_start3A_50 = tpu.memref_slice %arg3[%mul3A_43] : memref<320000xi32, #tpu.memory_space<hbm>> -> memref<128xi32, #tpu.memory_space<hbm>>
        tpu.enqueue_dma source(%dma_start3A_50 : memref<128xi32, #tpu.memory_space<hbm>>) target(%arg8 : memref<128xi32, #tpu.memory_space<vmem>>) target_semaphore(%run_scoped3A : memref<!tpu.dma_semaphore, #tpu.memory_space<semaphore_mem>>)
        %dma_wait3A_51 = tpu.memref_slice %arg3[%mul3A_43] : memref<320000xi32, #tpu.memory_space<hbm>> -> memref<128xi32, #tpu.memory_space<hbm>>
        %dma_wait3A_52 = tpu.memref_slice %arg3[%mul3A_43] : memref<320000xi32, #tpu.memory_space<hbm>> -> memref<128xi32, #tpu.memory_space<hbm>>
        tpu.wait_dma2 semaphore(%run_scoped3A : memref<!tpu.dma_semaphore, #tpu.memory_space<semaphore_mem>>) src(%dma_wait3A_52 : memref<128xi32, #tpu.memory_space<hbm>>) dst(%arg8 : memref<128xi32, #tpu.memory_space<vmem>>)
        tpu.yield
      }) : () -> ()
      "tpu.region"() ({
        %run_scoped3A = tpu.sem_alloc : memref<!tpu.dma_semaphore, #tpu.memory_space<semaphore_mem>>
        %dma_start3A_49 = tpu.memref_slice %arg4[%mul3A_43] : memref<320000xi32, #tpu.memory_space<hbm>> -> memref<128xi32, #tpu.memory_space<hbm>>
        %dma_start3A_50 = tpu.memref_slice %arg4[%mul3A_43] : memref<320000xi32, #tpu.memory_space<hbm>> -> memref<128xi32, #tpu.memory_space<hbm>>
        tpu.enqueue_dma source(%dma_start3A_50 : memref<128xi32, #tpu.memory_space<hbm>>) target(%arg11 : memref<128xi32, #tpu.memory_space<vmem>>) target_semaphore(%run_scoped3A : memref<!tpu.dma_semaphore, #tpu.memory_space<semaphore_mem>>)
        %dma_wait3A_51 = tpu.memref_slice %arg4[%mul3A_43] : memref<320000xi32, #tpu.memory_space<hbm>> -> memref<128xi32, #tpu.memory_space<hbm>>
        %dma_wait3A_52 = tpu.memref_slice %arg4[%mul3A_43] : memref<320000xi32, #tpu.memory_space<hbm>> -> memref<128xi32, #tpu.memory_space<hbm>>
        tpu.wait_dma2 semaphore(%run_scoped3A : memref<!tpu.dma_semaphore, #tpu.memory_space<semaphore_mem>>) src(%dma_wait3A_52 : memref<128xi32, #tpu.memory_space<hbm>>) dst(%arg11 : memref<128xi32, #tpu.memory_space<vmem>>)
        tpu.yield
      }) : () -> ()
      %dma_start3A = arith.constant 0 : i32
      %dma_start3A_44 = arith.constant 0 : i32
      %dma_start3A_45 = tpu.memref_slice %arg2[%dma_start3A, %dma_start3A_44] : memref<10000x128xf32, #tpu.memory_space<hbm>> -> memref<10000x128xf32, #tpu.memory_space<hbm>>
      tpu.enqueue_indirect_dma source(%dma_start3A_45 : memref<10000x128xf32, #tpu.memory_space<hbm>>) target(%arg14 : memref<128x128xf32, #tpu.memory_space<vmem>>) offsets(%arg8 : memref<128xi32, #tpu.memory_space<vmem>>) semaphore(%arg18 : memref<!tpu.dma_semaphore, #tpu.memory_space<semaphore_mem>>)
      %dma_wait3A_46 = arith.constant 0 : i32
      %dma_wait3A_47 = arith.constant 0 : i32
      %dma_wait3A_48 = tpu.memref_slice %arg2[%dma_wait3A_46, %dma_wait3A_47] : memref<10000x128xf32, #tpu.memory_space<hbm>> -> memref<10000x128xf32, #tpu.memory_space<hbm>>
      tpu.wait_indirect_dma semaphore(%arg18 : memref<!tpu.dma_semaphore, #tpu.memory_space<semaphore_mem>>) src(%dma_wait3A_48 : memref<10000x128xf32, #tpu.memory_space<hbm>>) dst(%arg14 : memref<128x128xf32, #tpu.memory_space<vmem>>)
      "tpu.region"() ({
        %run_scoped3A = tpu.sem_alloc : memref<!tpu.dma_semaphore, #tpu.memory_space<semaphore_mem>>
        %dma_start3A_49 = arith.constant 0 : i32
        %dma_start3A_50 = arith.constant 0 : i32
        %dma_start3A_51 = tpu.memref_slice %arg7[%dma_start3A_49, %dma_start3A_50] : memref<10000x128xf32, #tpu.memory_space<vmem_shared>> -> memref<10000x128xf32, #tpu.memory_space<vmem_shared>>
        tpu.enqueue_indirect_dma source(%arg14 : memref<128x128xf32, #tpu.memory_space<vmem>>) target(%dma_start3A_51 : memref<10000x128xf32, #tpu.memory_space<vmem_shared>>) offsets(%arg11 : memref<128xi32, #tpu.memory_space<vmem>>) semaphore(%run_scoped3A : memref<!tpu.dma_semaphore, #tpu.memory_space<semaphore_mem>>) {add = true}
        %dma_wait3A_52 = arith.constant 0 : i32
        %dma_wait3A_53 = arith.constant 0 : i32
        %dma_wait3A_54 = tpu.memref_slice %arg7[%dma_wait3A_52, %dma_wait3A_53] : memref<10000x128xf32, #tpu.memory_space<vmem_shared>> -> memref<10000x128xf32, #tpu.memory_space<vmem_shared>>
        tpu.wait_indirect_dma semaphore(%run_scoped3A : memref<!tpu.dma_semaphore, #tpu.memory_space<semaphore_mem>>) src(%arg14 : memref<128x128xf32, #tpu.memory_space<vmem>>) dst(%dma_wait3A_54 : memref<10000x128xf32, #tpu.memory_space<vmem_shared>>)
        tpu.yield
      }) : () -> ()
    } else {
    }
    %barrier3A_27 = arith.constant 0 : index
    tpu.barrier barrier_id(%barrier3A_27)
    %mul3A_28 = arith.constant 10000 : i32
    %mul3A_29 = arith.muli %arg0, %mul3A_28 : i32
    %lt3A_30 = arith.constant 15 : i32
    %lt3A_31 = arith.cmpi slt, %arg1, %lt3A_30 : i32
    %convert_element_type3A_32 = arith.extui %lt3A_31 : i1 to i32
    %cond3A_33 = arith.constant 0 : i32
    %cond3A_34 = arith.cmpi ne, %convert_element_type3A_32, %cond3A_33 : i32
    scf.if %cond3A_34 {
      %mul3A_40 = arith.constant 624 : i32
      %mul3A_41 = arith.muli %arg1, %mul3A_40 : i32
      %multiple_of3A = tpu.assume_multiple %mul3A_41, 8 : i32
      %add3A_42 = arith.addi %mul3A_29, %multiple_of3A : i32
      %multiple_of3A_43 = tpu.assume_multiple %add3A_42, 8 : i32
      "tpu.region"() ({
        %run_scoped3A = tpu.sem_alloc : memref<!tpu.dma_semaphore, #tpu.memory_space<semaphore_mem>>
        %dma_start3A = arith.constant 0 : i32
        %dma_start3A_44 = tpu.memref_slice %arg6[%multiple_of3A_43, %dma_start3A] : memref<20000x128xf32, #tpu.memory_space<hbm>> -> memref<624x128xf32, #tpu.memory_space<hbm>>
        %dma_start3A_45 = arith.constant 0 : i32
        %dma_start3A_46 = tpu.memref_slice %arg7[%multiple_of3A, %dma_start3A_45] : memref<10000x128xf32, #tpu.memory_space<vmem_shared>> -> memref<624x128xf32, #tpu.memory_space<vmem_shared>>
        tpu.enqueue_dma source(%dma_start3A_46 : memref<624x128xf32, #tpu.memory_space<vmem_shared>>) target(%dma_start3A_44 : memref<624x128xf32, #tpu.memory_space<hbm>>) target_semaphore(%run_scoped3A : memref<!tpu.dma_semaphore, #tpu.memory_space<semaphore_mem>>)
        %dma_wait3A_47 = arith.constant 0 : i32
        %dma_wait3A_48 = tpu.memref_slice %arg6[%multiple_of3A_43, %dma_wait3A_47] : memref<20000x128xf32, #tpu.memory_space<hbm>> -> memref<624x128xf32, #tpu.memory_space<hbm>>
        %dma_wait3A_49 = arith.constant 0 : i32
        %dma_wait3A_50 = tpu.memref_slice %arg7[%multiple_of3A, %dma_wait3A_49] : memref<10000x128xf32, #tpu.memory_space<vmem_shared>> -> memref<624x128xf32, #tpu.memory_space<vmem_shared>>
        tpu.wait_dma2 semaphore(%run_scoped3A : memref<!tpu.dma_semaphore, #tpu.memory_space<semaphore_mem>>) src(%dma_wait3A_50 : memref<624x128xf32, #tpu.memory_space<vmem_shared>>) dst(%dma_wait3A_48 : memref<624x128xf32, #tpu.memory_space<hbm>>)
        tpu.yield
      }) : () -> ()
    } else {
    }
    %eq3A_35 = arith.constant 15 : i32
    %eq3A_36 = arith.cmpi eq, %arg1, %eq3A_35 : i32
    %convert_element_type3A_37 = arith.extui %eq3A_36 : i1 to i32
    %cond3A_38 = arith.constant 0 : i32
    %cond3A_39 = arith.cmpi ne, %convert_element_type3A_37, %cond3A_38 : i32
    scf.if %cond3A_39 {
      %add3A_40 = arith.constant 9360 : i32
      %add3A_41 = arith.addi %mul3A_29, %add3A_40 : i32
      %multiple_of3A = tpu.assume_multiple %add3A_41, 8 : i32
      "tpu.region"() ({
        %run_scoped3A = tpu.sem_alloc : memref<!tpu.dma_semaphore, #tpu.memory_space<semaphore_mem>>
        %dma_start3A = arith.constant 0 : i32
        %dma_start3A_42 = tpu.memref_slice %arg6[%multiple_of3A, %dma_start3A] : memref<20000x128xf32, #tpu.memory_space<hbm>> -> memref<640x128xf32, #tpu.memory_space<hbm>>
        %dma_start3A_43 = arith.constant 9360 : i32
        %dma_start3A_44 = arith.constant 0 : i32
        %dma_start3A_45 = tpu.memref_slice %arg7[%dma_start3A_43, %dma_start3A_44] : memref<10000x128xf32, #tpu.memory_space<vmem_shared>> -> memref<640x128xf32, #tpu.memory_space<vmem_shared>>
        tpu.enqueue_dma source(%dma_start3A_45 : memref<640x128xf32, #tpu.memory_space<vmem_shared>>) target(%dma_start3A_42 : memref<640x128xf32, #tpu.memory_space<hbm>>) target_semaphore(%run_scoped3A : memref<!tpu.dma_semaphore, #tpu.memory_space<semaphore_mem>>)
        %dma_wait3A_46 = arith.constant 0 : i32
        %dma_wait3A_47 = tpu.memref_slice %arg6[%multiple_of3A, %dma_wait3A_46] : memref<20000x128xf32, #tpu.memory_space<hbm>> -> memref<640x128xf32, #tpu.memory_space<hbm>>
        %dma_wait3A_48 = arith.constant 9360 : i32
        %dma_wait3A_49 = arith.constant 0 : i32
        %dma_wait3A_50 = tpu.memref_slice %arg7[%dma_wait3A_48, %dma_wait3A_49] : memref<10000x128xf32, #tpu.memory_space<vmem_shared>> -> memref<640x128xf32, #tpu.memory_space<vmem_shared>>
        tpu.wait_dma2 semaphore(%run_scoped3A : memref<!tpu.dma_semaphore, #tpu.memory_space<semaphore_mem>>) src(%dma_wait3A_50 : memref<640x128xf32, #tpu.memory_space<vmem_shared>>) dst(%dma_wait3A_47 : memref<640x128xf32, #tpu.memory_space<hbm>>)
        tpu.yield
      }) : () -> ()
    } else {
    }
    return
  }
}

#map = affine_map<(d0, d1) -> (0)>
module attributes {stable_mosaic.version = 14 : i64} {
  func.func @_deg_kernel(%arg0: i32, %arg1: i32, %arg2: memref<320000xi32, #tpu.memory_space<hbm>>, %arg3: memref<10000xf32, #tpu.memory_space<hbm>>, %arg4: memref<20000xf32, #tpu.memory_space<hbm>>, %arg5: memref<10000xf32, #tpu.memory_space<vmem_shared>>, %arg6: memref<128xi32, #tpu.memory_space<vmem>>, %arg7: memref<128xi32, #tpu.memory_space<vmem>>, %arg8: memref<128xi32, #tpu.memory_space<vmem>>, %arg9: memref<128xf32, #tpu.memory_space<vmem>>, %arg10: memref<10000xf32, #tpu.memory_space<vmem>>, %arg11: memref<!tpu.dma_semaphore, #tpu.memory_space<semaphore_mem>>, %arg12: memref<!tpu.dma_semaphore, #tpu.memory_space<semaphore_mem>>) attributes {dimension_semantics = [#tpu.dimension_semantics<core_parallel>, #tpu.dimension_semantics<subcore_parallel>], iteration_bounds = array<i64: 2, 16>, scalar_prefetch = 0 : i64, scratch_operands = 8 : i64, tpu.core_type = #tpu.core_type<sc_vector_subcore>, window_params = [{transform_indices = #map}, {transform_indices = #map}, {transform_indices = #map}]} {
    %eq3A = arith.constant 0 : i32
    %eq3A_0 = arith.cmpi eq, %arg1, %eq3A : i32
    %convert_element_type3A = arith.extui %eq3A_0 : i1 to i32
    %cond3A = arith.constant 0 : i32
    %cond3A_1 = arith.cmpi ne, %convert_element_type3A, %cond3A : i32
    scf.if %cond3A_1 {
      "tpu.region"() ({
        %run_scoped3A = tpu.sem_alloc : memref<!tpu.dma_semaphore, #tpu.memory_space<semaphore_mem>>
        tpu.enqueue_dma source(%arg3 : memref<10000xf32, #tpu.memory_space<hbm>>) target(%arg5 : memref<10000xf32, #tpu.memory_space<vmem_shared>>) target_semaphore(%run_scoped3A : memref<!tpu.dma_semaphore, #tpu.memory_space<semaphore_mem>>)
        tpu.wait_dma2 semaphore(%run_scoped3A : memref<!tpu.dma_semaphore, #tpu.memory_space<semaphore_mem>>) src(%arg3 : memref<10000xf32, #tpu.memory_space<hbm>>) dst(%arg5 : memref<10000xf32, #tpu.memory_space<vmem_shared>>)
        tpu.yield
      }) : () -> ()
    } else {
    }
    %broadcast_in_dim3A = arith.constant 1.000000e+00 : f32
    %broadcast_in_dim3A_2 = vector.broadcast %broadcast_in_dim3A : f32 to vector<16xf32>
    %swap3A = arith.constant 0 : index
    %swap3A_3 = tpu.vector_load %arg9[%swap3A] {strides = array<i32>} : memref<128xf32, #tpu.memory_space<vmem>>, vector<16xf32>,
    %swap3A_4 = vector.shape_cast %swap3A_3 : vector<16xf32> to vector<16xf32>
    %swap3A_5 = vector.shape_cast %broadcast_in_dim3A_2 : vector<16xf32> to vector<16xf32>
    tpu.vector_store %arg9[%swap3A], %swap3A_5 {strides = array<i32>} : memref<128xf32, #tpu.memory_space<vmem>>, vector<16xf32>,
    %broadcast_in_dim3A_6 = arith.constant 1.000000e+00 : f32
    %broadcast_in_dim3A_7 = vector.broadcast %broadcast_in_dim3A_6 : f32 to vector<16xf32>
    %swap3A_8 = arith.constant 16 : index
    %swap3A_9 = tpu.vector_load %arg9[%swap3A_8] {strides = array<i32>} : memref<128xf32, #tpu.memory_space<vmem>>, vector<16xf32>,
    %swap3A_10 = vector.shape_cast %swap3A_9 : vector<16xf32> to vector<16xf32>
    %swap3A_11 = vector.shape_cast %broadcast_in_dim3A_7 : vector<16xf32> to vector<16xf32>
    tpu.vector_store %arg9[%swap3A_8], %swap3A_11 {strides = array<i32>} : memref<128xf32, #tpu.memory_space<vmem>>, vector<16xf32>,
    %broadcast_in_dim3A_12 = arith.constant 1.000000e+00 : f32
    %broadcast_in_dim3A_13 = vector.broadcast %broadcast_in_dim3A_12 : f32 to vector<16xf32>
    %swap3A_14 = arith.constant 32 : index
    %swap3A_15 = tpu.vector_load %arg9[%swap3A_14] {strides = array<i32>} : memref<128xf32, #tpu.memory_space<vmem>>, vector<16xf32>,
    %swap3A_16 = vector.shape_cast %swap3A_15 : vector<16xf32> to vector<16xf32>
    %swap3A_17 = vector.shape_cast %broadcast_in_dim3A_13 : vector<16xf32> to vector<16xf32>
    tpu.vector_store %arg9[%swap3A_14], %swap3A_17 {strides = array<i32>} : memref<128xf32, #tpu.memory_space<vmem>>, vector<16xf32>,
    %broadcast_in_dim3A_18 = arith.constant 1.000000e+00 : f32
    %broadcast_in_dim3A_19 = vector.broadcast %broadcast_in_dim3A_18 : f32 to vector<16xf32>
    %swap3A_20 = arith.constant 48 : index
    %swap3A_21 = tpu.vector_load %arg9[%swap3A_20] {strides = array<i32>} : memref<128xf32, #tpu.memory_space<vmem>>, vector<16xf32>,
    %swap3A_22 = vector.shape_cast %swap3A_21 : vector<16xf32> to vector<16xf32>
    %swap3A_23 = vector.shape_cast %broadcast_in_dim3A_19 : vector<16xf32> to vector<16xf32>
    tpu.vector_store %arg9[%swap3A_20], %swap3A_23 {strides = array<i32>} : memref<128xf32, #tpu.memory_space<vmem>>, vector<16xf32>,
    %broadcast_in_dim3A_24 = arith.constant 1.000000e+00 : f32
    %broadcast_in_dim3A_25 = vector.broadcast %broadcast_in_dim3A_24 : f32 to vector<16xf32>
    %swap3A_26 = arith.constant 64 : index
    %swap3A_27 = tpu.vector_load %arg9[%swap3A_26] {strides = array<i32>} : memref<128xf32, #tpu.memory_space<vmem>>, vector<16xf32>,
    %swap3A_28 = vector.shape_cast %swap3A_27 : vector<16xf32> to vector<16xf32>
    %swap3A_29 = vector.shape_cast %broadcast_in_dim3A_25 : vector<16xf32> to vector<16xf32>
    tpu.vector_store %arg9[%swap3A_26], %swap3A_29 {strides = array<i32>} : memref<128xf32, #tpu.memory_space<vmem>>, vector<16xf32>,
    %broadcast_in_dim3A_30 = arith.constant 1.000000e+00 : f32
    %broadcast_in_dim3A_31 = vector.broadcast %broadcast_in_dim3A_30 : f32 to vector<16xf32>
    %swap3A_32 = arith.constant 80 : index
    %swap3A_33 = tpu.vector_load %arg9[%swap3A_32] {strides = array<i32>} : memref<128xf32, #tpu.memory_space<vmem>>, vector<16xf32>,
    %swap3A_34 = vector.shape_cast %swap3A_33 : vector<16xf32> to vector<16xf32>
    %swap3A_35 = vector.shape_cast %broadcast_in_dim3A_31 : vector<16xf32> to vector<16xf32>
    tpu.vector_store %arg9[%swap3A_32], %swap3A_35 {strides = array<i32>} : memref<128xf32, #tpu.memory_space<vmem>>, vector<16xf32>,
    %broadcast_in_dim3A_36 = arith.constant 1.000000e+00 : f32
    %broadcast_in_dim3A_37 = vector.broadcast %broadcast_in_dim3A_36 : f32 to vector<16xf32>
    %swap3A_38 = arith.constant 96 : index
    %swap3A_39 = tpu.vector_load %arg9[%swap3A_38] {strides = array<i32>} : memref<128xf32, #tpu.memory_space<vmem>>, vector<16xf32>,
    %swap3A_40 = vector.shape_cast %swap3A_39 : vector<16xf32> to vector<16xf32>
    %swap3A_41 = vector.shape_cast %broadcast_in_dim3A_37 : vector<16xf32> to vector<16xf32>
    tpu.vector_store %arg9[%swap3A_38], %swap3A_41 {strides = array<i32>} : memref<128xf32, #tpu.memory_space<vmem>>, vector<16xf32>,
    %broadcast_in_dim3A_42 = arith.constant 1.000000e+00 : f32
    %broadcast_in_dim3A_43 = vector.broadcast %broadcast_in_dim3A_42 : f32 to vector<16xf32>
    %swap3A_44 = arith.constant 112 : index
    %swap3A_45 = tpu.vector_load %arg9[%swap3A_44] {strides = array<i32>} : memref<128xf32, #tpu.memory_space<vmem>>, vector<16xf32>,
    %swap3A_46 = vector.shape_cast %swap3A_45 : vector<16xf32> to vector<16xf32>
    %swap3A_47 = vector.shape_cast %broadcast_in_dim3A_43 : vector<16xf32> to vector<16xf32>
    tpu.vector_store %arg9[%swap3A_44], %swap3A_47 {strides = array<i32>} : memref<128xf32, #tpu.memory_space<vmem>>, vector<16xf32>,
    %barrier3A = arith.constant 0 : index
    tpu.barrier barrier_id(%barrier3A)
    %mul3A = arith.constant 160000 : i32
    %mul3A_48 = arith.muli %arg0, %mul3A : i32
    %mul3A_49 = arith.constant 9984 : i32
    %mul3A_50 = arith.muli %arg1, %mul3A_49 : i32
    %add3A = arith.addi %mul3A_48, %mul3A_50 : i32
    %scan3A = arith.constant 0 : i32
    %scan3A_51 = arith.constant 0 : i32
    %scan3A_52 = arith.constant 26 : i32
    %scan3A_53 = arith.addi %scan3A_51, %scan3A_52 : i32
    %scan3A_54 = arith.constant 1 : i32
    scf.for %scan3A_71 = %scan3A_51 to %scan3A_53 step %scan3A_54  : i32 {
      %mul3A_72 = arith.constant 384 : i32
      %mul3A_73 = arith.muli %scan3A_71, %mul3A_72 : i32
      %add3A_74 = arith.addi %add3A, %mul3A_73 : i32
      %ge3A = arith.constant 1 : i32
      %ge3A_75 = arith.cmpi sge, %scan3A_71, %ge3A : i32
      %convert_element_type3A_76 = arith.extui %ge3A_75 : i1 to i32
      %cond3A_77 = arith.constant 0 : i32
      %cond3A_78 = arith.cmpi ne, %convert_element_type3A_76, %cond3A_77 : i32
      scf.if %cond3A_78 {
        %dma_wait3A_102 = arith.constant 0 : i32
        %dma_wait3A_103 = tpu.memref_slice %arg5[%dma_wait3A_102] : memref<10000xf32, #tpu.memory_space<vmem_shared>> -> memref<10000xf32, #tpu.memory_space<vmem_shared>>
        tpu.wait_indirect_dma semaphore(%arg12 : memref<!tpu.dma_semaphore, #tpu.memory_space<semaphore_mem>>) src(%arg9 : memref<128xf32, #tpu.memory_space<vmem>>) dst(%dma_wait3A_103 : memref<10000xf32, #tpu.memory_space<vmem_shared>>)
        %dma_wait3A_104 = arith.constant 0 : i32
        %dma_wait3A_105 = tpu.memref_slice %arg5[%dma_wait3A_104] : memref<10000xf32, #tpu.memory_space<vmem_shared>> -> memref<10000xf32, #tpu.memory_space<vmem_shared>>
        tpu.wait_indirect_dma semaphore(%arg12 : memref<!tpu.dma_semaphore, #tpu.memory_space<semaphore_mem>>) src(%arg9 : memref<128xf32, #tpu.memory_space<vmem>>) dst(%dma_wait3A_105 : memref<10000xf32, #tpu.memory_space<vmem_shared>>)
        %dma_wait3A_106 = arith.constant 0 : i32
        %dma_wait3A_107 = tpu.memref_slice %arg5[%dma_wait3A_106] : memref<10000xf32, #tpu.memory_space<vmem_shared>> -> memref<10000xf32, #tpu.memory_space<vmem_shared>>
        tpu.wait_indirect_dma semaphore(%arg12 : memref<!tpu.dma_semaphore, #tpu.memory_space<semaphore_mem>>) src(%arg9 : memref<128xf32, #tpu.memory_space<vmem>>) dst(%dma_wait3A_107 : memref<10000xf32, #tpu.memory_space<vmem_shared>>)
      } else {
      }
      %add3A_79 = arith.constant 0 : i32
      %add3A_80 = arith.addi %add3A_74, %add3A_79 : i32
      %dma_start3A = tpu.memref_slice %arg2[%add3A_80] : memref<320000xi32, #tpu.memory_space<hbm>> -> memref<128xi32, #tpu.memory_space<hbm>>
      %dma_start3A_81 = tpu.memref_slice %arg2[%add3A_80] : memref<320000xi32, #tpu.memory_space<hbm>> -> memref<128xi32, #tpu.memory_space<hbm>>
      tpu.enqueue_dma source(%dma_start3A_81 : memref<128xi32, #tpu.memory_space<hbm>>) target(%arg6 : memref<128xi32, #tpu.memory_space<vmem>>) target_semaphore(%arg11 : memref<!tpu.dma_semaphore, #tpu.memory_space<semaphore_mem>>)
      %add3A_82 = arith.constant 128 : i32
      %add3A_83 = arith.addi %add3A_74, %add3A_82 : i32
      %dma_start3A_84 = tpu.memref_slice %arg2[%add3A_83] : memref<320000xi32, #tpu.memory_space<hbm>> -> memref<128xi32, #tpu.memory_space<hbm>>
      %dma_start3A_85 = tpu.memref_slice %arg2[%add3A_83] : memref<320000xi32, #tpu.memory_space<hbm>> -> memref<128xi32, #tpu.memory_space<hbm>>
      tpu.enqueue_dma source(%dma_start3A_85 : memref<128xi32, #tpu.memory_space<hbm>>) target(%arg7 : memref<128xi32, #tpu.memory_space<vmem>>) target_semaphore(%arg11 : memref<!tpu.dma_semaphore, #tpu.memory_space<semaphore_mem>>)
      %add3A_86 = arith.constant 256 : i32
      %add3A_87 = arith.addi %add3A_74, %add3A_86 : i32
      %dma_start3A_88 = tpu.memref_slice %arg2[%add3A_87] : memref<320000xi32, #tpu.memory_space<hbm>> -> memref<128xi32, #tpu.memory_space<hbm>>
      %dma_start3A_89 = tpu.memref_slice %arg2[%add3A_87] : memref<320000xi32, #tpu.memory_space<hbm>> -> memref<128xi32, #tpu.memory_space<hbm>>
      tpu.enqueue_dma source(%dma_start3A_89 : memref<128xi32, #tpu.memory_space<hbm>>) target(%arg8 : memref<128xi32, #tpu.memory_space<vmem>>) target_semaphore(%arg11 : memref<!tpu.dma_semaphore, #tpu.memory_space<semaphore_mem>>)
      %dma_wait3A_90 = tpu.memref_slice %arg2[%add3A_80] : memref<320000xi32, #tpu.memory_space<hbm>> -> memref<128xi32, #tpu.memory_space<hbm>>
      %dma_wait3A_91 = tpu.memref_slice %arg2[%add3A_80] : memref<320000xi32, #tpu.memory_space<hbm>> -> memref<128xi32, #tpu.memory_space<hbm>>
      tpu.wait_dma2 semaphore(%arg11 : memref<!tpu.dma_semaphore, #tpu.memory_space<semaphore_mem>>) src(%dma_wait3A_91 : memref<128xi32, #tpu.memory_space<hbm>>) dst(%arg6 : memref<128xi32, #tpu.memory_space<vmem>>)
      %dma_wait3A_92 = tpu.memref_slice %arg2[%add3A_83] : memref<320000xi32, #tpu.memory_space<hbm>> -> memref<128xi32, #tpu.memory_space<hbm>>
      %dma_wait3A_93 = tpu.memref_slice %arg2[%add3A_83] : memref<320000xi32, #tpu.memory_space<hbm>> -> memref<128xi32, #tpu.memory_space<hbm>>
      tpu.wait_dma2 semaphore(%arg11 : memref<!tpu.dma_semaphore, #tpu.memory_space<semaphore_mem>>) src(%dma_wait3A_93 : memref<128xi32, #tpu.memory_space<hbm>>) dst(%arg7 : memref<128xi32, #tpu.memory_space<vmem>>)
      %dma_wait3A_94 = tpu.memref_slice %arg2[%add3A_87] : memref<320000xi32, #tpu.memory_space<hbm>> -> memref<128xi32, #tpu.memory_space<hbm>>
      %dma_wait3A_95 = tpu.memref_slice %arg2[%add3A_87] : memref<320000xi32, #tpu.memory_space<hbm>> -> memref<128xi32, #tpu.memory_space<hbm>>
      tpu.wait_dma2 semaphore(%arg11 : memref<!tpu.dma_semaphore, #tpu.memory_space<semaphore_mem>>) src(%dma_wait3A_95 : memref<128xi32, #tpu.memory_space<hbm>>) dst(%arg8 : memref<128xi32, #tpu.memory_space<vmem>>)
      %dma_start3A_96 = arith.constant 0 : i32
      %dma_start3A_97 = tpu.memref_slice %arg5[%dma_start3A_96] : memref<10000xf32, #tpu.memory_space<vmem_shared>> -> memref<10000xf32, #tpu.memory_space<vmem_shared>>
      tpu.enqueue_indirect_dma source(%arg9 : memref<128xf32, #tpu.memory_space<vmem>>) target(%dma_start3A_97 : memref<10000xf32, #tpu.memory_space<vmem_shared>>) offsets(%arg6 : memref<128xi32, #tpu.memory_space<vmem>>) semaphore(%arg12 : memref<!tpu.dma_semaphore, #tpu.memory_space<semaphore_mem>>) {add = true}
      %dma_start3A_98 = arith.constant 0 : i32
      %dma_start3A_99 = tpu.memref_slice %arg5[%dma_start3A_98] : memref<10000xf32, #tpu.memory_space<vmem_shared>> -> memref<10000xf32, #tpu.memory_space<vmem_shared>>
      tpu.enqueue_indirect_dma source(%arg9 : memref<128xf32, #tpu.memory_space<vmem>>) target(%dma_start3A_99 : memref<10000xf32, #tpu.memory_space<vmem_shared>>) offsets(%arg7 : memref<128xi32, #tpu.memory_space<vmem>>) semaphore(%arg12 : memref<!tpu.dma_semaphore, #tpu.memory_space<semaphore_mem>>) {add = true}
      %dma_start3A_100 = arith.constant 0 : i32
      %dma_start3A_101 = tpu.memref_slice %arg5[%dma_start3A_100] : memref<10000xf32, #tpu.memory_space<vmem_shared>> -> memref<10000xf32, #tpu.memory_space<vmem_shared>>
      tpu.enqueue_indirect_dma source(%arg9 : memref<128xf32, #tpu.memory_space<vmem>>) target(%dma_start3A_101 : memref<10000xf32, #tpu.memory_space<vmem_shared>>) offsets(%arg8 : memref<128xi32, #tpu.memory_space<vmem>>) semaphore(%arg12 : memref<!tpu.dma_semaphore, #tpu.memory_space<semaphore_mem>>) {add = true}
    }
    %scan3A_55 = arith.constant 26 : i32
    %dma_wait3A = arith.constant 0 : i32
    %dma_wait3A_56 = tpu.memref_slice %arg5[%dma_wait3A] : memref<10000xf32, #tpu.memory_space<vmem_shared>> -> memref<10000xf32, #tpu.memory_space<vmem_shared>>
    tpu.wait_indirect_dma semaphore(%arg12 : memref<!tpu.dma_semaphore, #tpu.memory_space<semaphore_mem>>) src(%arg9 : memref<128xf32, #tpu.memory_space<vmem>>) dst(%dma_wait3A_56 : memref<10000xf32, #tpu.memory_space<vmem_shared>>)
    %dma_wait3A_57 = arith.constant 0 : i32
    %dma_wait3A_58 = tpu.memref_slice %arg5[%dma_wait3A_57] : memref<10000xf32, #tpu.memory_space<vmem_shared>> -> memref<10000xf32, #tpu.memory_space<vmem_shared>>
    tpu.wait_indirect_dma semaphore(%arg12 : memref<!tpu.dma_semaphore, #tpu.memory_space<semaphore_mem>>) src(%arg9 : memref<128xf32, #tpu.memory_space<vmem>>) dst(%dma_wait3A_58 : memref<10000xf32, #tpu.memory_space<vmem_shared>>)
    %dma_wait3A_59 = arith.constant 0 : i32
    %dma_wait3A_60 = tpu.memref_slice %arg5[%dma_wait3A_59] : memref<10000xf32, #tpu.memory_space<vmem_shared>> -> memref<10000xf32, #tpu.memory_space<vmem_shared>>
    tpu.wait_indirect_dma semaphore(%arg12 : memref<!tpu.dma_semaphore, #tpu.memory_space<semaphore_mem>>) src(%arg9 : memref<128xf32, #tpu.memory_space<vmem>>) dst(%dma_wait3A_60 : memref<10000xf32, #tpu.memory_space<vmem_shared>>)
    %lt3A = arith.constant 2 : i32
    %lt3A_61 = arith.cmpi slt, %arg1, %lt3A : i32
    %convert_element_type3A_62 = arith.extui %lt3A_61 : i1 to i32
    %cond3A_63 = arith.constant 0 : i32
    %cond3A_64 = arith.cmpi ne, %convert_element_type3A_62, %cond3A_63 : i32
    scf.if %cond3A_64 {
      %mul3A_71 = arith.constant 160000 : i32
      %mul3A_72 = arith.muli %arg0, %mul3A_71 : i32
      %add3A_73 = arith.constant 1248 : i32
      %add3A_74 = arith.addi %add3A_73, %arg1 : i32
      %mul3A_75 = arith.constant 128 : i32
      %mul3A_76 = arith.muli %add3A_74, %mul3A_75 : i32
      %add3A_77 = arith.addi %mul3A_72, %mul3A_76 : i32
      "tpu.region"() ({
        %run_scoped3A = tpu.sem_alloc : memref<!tpu.dma_semaphore, #tpu.memory_space<semaphore_mem>>
        %dma_start3A = tpu.memref_slice %arg2[%add3A_77] : memref<320000xi32, #tpu.memory_space<hbm>> -> memref<128xi32, #tpu.memory_space<hbm>>
        %dma_start3A_78 = tpu.memref_slice %arg2[%add3A_77] : memref<320000xi32, #tpu.memory_space<hbm>> -> memref<128xi32, #tpu.memory_space<hbm>>
        tpu.enqueue_dma source(%dma_start3A_78 : memref<128xi32, #tpu.memory_space<hbm>>) target(%arg6 : memref<128xi32, #tpu.memory_space<vmem>>) target_semaphore(%run_scoped3A : memref<!tpu.dma_semaphore, #tpu.memory_space<semaphore_mem>>)
        %dma_wait3A_79 = tpu.memref_slice %arg2[%add3A_77] : memref<320000xi32, #tpu.memory_space<hbm>> -> memref<128xi32, #tpu.memory_space<hbm>>
        %dma_wait3A_80 = tpu.memref_slice %arg2[%add3A_77] : memref<320000xi32, #tpu.memory_space<hbm>> -> memref<128xi32, #tpu.memory_space<hbm>>
        tpu.wait_dma2 semaphore(%run_scoped3A : memref<!tpu.dma_semaphore, #tpu.memory_space<semaphore_mem>>) src(%dma_wait3A_80 : memref<128xi32, #tpu.memory_space<hbm>>) dst(%arg6 : memref<128xi32, #tpu.memory_space<vmem>>)
        tpu.yield
      }) : () -> ()
      "tpu.region"() ({
        %run_scoped3A = tpu.sem_alloc : memref<!tpu.dma_semaphore, #tpu.memory_space<semaphore_mem>>
        %dma_start3A = arith.constant 0 : i32
        %dma_start3A_78 = tpu.memref_slice %arg5[%dma_start3A] : memref<10000xf32, #tpu.memory_space<vmem_shared>> -> memref<10000xf32, #tpu.memory_space<vmem_shared>>
        tpu.enqueue_indirect_dma source(%arg9 : memref<128xf32, #tpu.memory_space<vmem>>) target(%dma_start3A_78 : memref<10000xf32, #tpu.memory_space<vmem_shared>>) offsets(%arg6 : memref<128xi32, #tpu.memory_space<vmem>>) semaphore(%run_scoped3A : memref<!tpu.dma_semaphore, #tpu.memory_space<semaphore_mem>>) {add = true}
        %dma_wait3A_79 = arith.constant 0 : i32
        %dma_wait3A_80 = tpu.memref_slice %arg5[%dma_wait3A_79] : memref<10000xf32, #tpu.memory_space<vmem_shared>> -> memref<10000xf32, #tpu.memory_space<vmem_shared>>
        tpu.wait_indirect_dma semaphore(%run_scoped3A : memref<!tpu.dma_semaphore, #tpu.memory_space<semaphore_mem>>) src(%arg9 : memref<128xf32, #tpu.memory_space<vmem>>) dst(%dma_wait3A_80 : memref<10000xf32, #tpu.memory_space<vmem_shared>>)
        tpu.yield
      }) : () -> ()
    } else {
    }
    %barrier3A_65 = arith.constant 0 : index
    tpu.barrier barrier_id(%barrier3A_65)
    %eq3A_66 = arith.constant 0 : i32
    %eq3A_67 = arith.cmpi eq, %arg1, %eq3A_66 : i32
    %convert_element_type3A_68 = arith.extui %eq3A_67 : i1 to i32
    %cond3A_69 = arith.constant 0 : i32
    %cond3A_70 = arith.cmpi ne, %convert_element_type3A_68, %cond3A_69 : i32
    scf.if %cond3A_70 {
      "tpu.region"() ({
        %run_scoped3A = tpu.sem_alloc : memref<!tpu.dma_semaphore, #tpu.memory_space<semaphore_mem>>
        tpu.enqueue_dma source(%arg5 : memref<10000xf32, #tpu.memory_space<vmem_shared>>) target(%arg10 : memref<10000xf32, #tpu.memory_space<vmem>>) target_semaphore(%run_scoped3A : memref<!tpu.dma_semaphore, #tpu.memory_space<semaphore_mem>>)
        tpu.wait_dma2 semaphore(%run_scoped3A : memref<!tpu.dma_semaphore, #tpu.memory_space<semaphore_mem>>) src(%arg5 : memref<10000xf32, #tpu.memory_space<vmem_shared>>) dst(%arg10 : memref<10000xf32, #tpu.memory_space<vmem>>)
        tpu.yield
      }) : () -> ()
      %mul3A_71 = arith.constant 10000 : i32
      %mul3A_72 = arith.muli %arg0, %mul3A_71 : i32
      %multiple_of3A = tpu.assume_multiple %mul3A_72, 8 : i32
      "tpu.region"() ({
        %run_scoped3A = tpu.sem_alloc : memref<!tpu.dma_semaphore, #tpu.memory_space<semaphore_mem>>
        %dma_start3A = tpu.memref_slice %arg4[%multiple_of3A] : memref<20000xf32, #tpu.memory_space<hbm>> -> memref<10000xf32, #tpu.memory_space<hbm>>
        %dma_start3A_73 = tpu.memref_slice %arg4[%multiple_of3A] : memref<20000xf32, #tpu.memory_space<hbm>> -> memref<10000xf32, #tpu.memory_space<hbm>>
        tpu.enqueue_dma source(%arg10 : memref<10000xf32, #tpu.memory_space<vmem>>) target(%dma_start3A_73 : memref<10000xf32, #tpu.memory_space<hbm>>) target_semaphore(%run_scoped3A : memref<!tpu.dma_semaphore, #tpu.memory_space<semaphore_mem>>)
        %dma_wait3A_74 = tpu.memref_slice %arg4[%multiple_of3A] : memref<20000xf32, #tpu.memory_space<hbm>> -> memref<10000xf32, #tpu.memory_space<hbm>>
        %dma_wait3A_75 = tpu.memref_slice %arg4[%multiple_of3A] : memref<20000xf32, #tpu.memory_space<hbm>> -> memref<10000xf32, #tpu.memory_space<hbm>>
        tpu.wait_dma2 semaphore(%run_scoped3A : memref<!tpu.dma_semaphore, #tpu.memory_space<semaphore_mem>>) src(%arg10 : memref<10000xf32, #tpu.memory_space<vmem>>) dst(%dma_wait3A_75 : memref<10000xf32, #tpu.memory_space<hbm>>)
        tpu.yield
      }) : () -> ()
    } else {
    }
    return
  }
}

module attributes {stable_mosaic.version = 14 : i64} {
  func.func @_scale_body(%arg0: i32, %arg1: memref<1000x128xf32, #tpu.memory_space<vmem>>, %arg2: memref<1x2x1000xf32, #tpu.memory_space<vmem>>, %arg3: memref<1000x128xf32, #tpu.memory_space<vmem>>) attributes {dimension_semantics = [#tpu.dimension_semantics<arbitrary>], iteration_bounds = array<i64: 10>, scalar_prefetch = 0 : i64, scratch_operands = 0 : i64, tpu.core_type = #tpu.core_type<tc>, window_params = [{transform_indices = @transform_0, window_bounds = array<i64: 1000, 128>}, {transform_indices = @transform_1, window_bounds = array<i64: 1, 2, 1000>}, {transform_indices = @transform_2, window_bounds = array<i64: 1000, 128>}]} {
    %get3A = arith.constant 0 : index
    %get3A_0 = arith.constant 0 : index
    %get3A_1 = arith.constant 0 : index
    %get3A_2 = vector.load %arg2[%get3A, %get3A_0, %get3A_1] : memref<1x2x1000xf32, #tpu.memory_space<vmem>>, vector<1x1x1000xf32>
    %get3A_3 = vector.shape_cast %get3A_2 : vector<1x1x1000xf32> to vector<1000xf32>
    %get3A_4 = arith.constant 0 : index
    %get3A_5 = arith.constant 1 : index
    %get3A_6 = arith.constant 0 : index
    %get3A_7 = vector.load %arg2[%get3A_4, %get3A_5, %get3A_6] : memref<1x2x1000xf32, #tpu.memory_space<vmem>>, vector<1x1x1000xf32>
    %get3A_8 = vector.shape_cast %get3A_7 : vector<1x1x1000xf32> to vector<1000xf32>
    %add3A = arith.addf %get3A_3, %get3A_8 : vector<1000xf32>
    %add3A_9 = arith.constant 1.000000e+00 : f32
    %add3A_10 = vector.broadcast %add3A_9 : f32 to vector<1000xf32>
    %add3A_11 = arith.addf %add3A, %add3A_10 : vector<1000xf32>
    %rsqrt3A = math.rsqrt %add3A_11 : vector<1000xf32>
    %get3A_12 = arith.constant 0 : index
    %get3A_13 = arith.constant 0 : index
    %get3A_14 = vector.load %arg1[%get3A_12, %get3A_13] : memref<1000x128xf32, #tpu.memory_space<vmem>>, vector<1000x128xf32>
    %broadcast_in_dim3A = vector.shape_cast %rsqrt3A : vector<1000xf32> to vector<1000x1xf32>
    %mul3A = vector.broadcast %broadcast_in_dim3A : vector<1000x1xf32> to vector<1000x128xf32>
    %mul3A_15 = arith.mulf %get3A_14, %mul3A : vector<1000x128xf32>
    %swap3A = arith.constant 0 : index
    %swap3A_16 = arith.constant 0 : index
    %swap3A_17 = vector.load %arg3[%swap3A, %swap3A_16] : memref<1000x128xf32, #tpu.memory_space<vmem>>, vector<1000x128xf32>
    tpu.vector_store %arg3[%swap3A, %swap3A_16], %mul3A_15 {strides = array<i32>} : memref<1000x128xf32, #tpu.memory_space<vmem>>, vector<1000x128xf32>,
    return
  }
  func.func @transform_0(%arg0: i32) -> (i32, i32) {
    %c0_i32 = arith.constant 0 : i32
    %c0_i32_0 = arith.constant 0 : i32
    return %arg0, %c0_i32 : i32, i32
  }
  func.func @transform_1(%arg0: i32) -> (i32, i32, i32) {
    %c0_i32 = arith.constant 0 : i32
    %c0_i32_0 = arith.constant 0 : i32
    %c0_i32_1 = arith.constant 0 : i32
    return %arg0, %c0_i32, %c0_i32_0 : i32, i32, i32
  }
  func.func @transform_2(%arg0: i32) -> (i32, i32) {
    %c0_i32 = arith.constant 0 : i32
    %c0_i32_0 = arith.constant 0 : i32
    return %arg0, %c0_i32 : i32, i32
  }
}

module attributes {stable_mosaic.version = 14 : i64} {
  func.func @_mm_body(%arg0: i32, %arg1: memref<2x1000x128xf32, #tpu.memory_space<vmem>>, %arg2: memref<1000x128xf32, #tpu.memory_space<vmem>>, %arg3: memref<1x2x1000xf32, #tpu.memory_space<vmem>>, %arg4: memref<128x256xf32, #tpu.memory_space<vmem>>, %arg5: memref<1x256xf32, #tpu.memory_space<vmem>>, %arg6: memref<256x128xf32, #tpu.memory_space<vmem>>, %arg7: memref<1000x128xf32, #tpu.memory_space<vmem>>) attributes {dimension_semantics = [#tpu.dimension_semantics<arbitrary>], iteration_bounds = array<i64: 10>, scalar_prefetch = 0 : i64, scratch_operands = 0 : i64, tpu.core_type = #tpu.core_type<tc>, window_params = [{transform_indices = @transform_0, window_bounds = array<i64: 2, 1000, 128>}, {transform_indices = @transform_1, window_bounds = array<i64: 1000, 128>}, {transform_indices = @transform_2, window_bounds = array<i64: 1, 2, 1000>}, {pipeline_mode = #tpu.pipeline_mode<synchronous>, transform_indices = @transform_3, window_bounds = array<i64: 128, 256>}, {pipeline_mode = #tpu.pipeline_mode<synchronous>, transform_indices = @transform_4, window_bounds = array<i64: 1, 256>}, {pipeline_mode = #tpu.pipeline_mode<synchronous>, transform_indices = @transform_5, window_bounds = array<i64: 256, 128>}, {transform_indices = @transform_6, window_bounds = array<i64: 1000, 128>}]} {
    %get3A = arith.constant 0 : index
    %get3A_0 = arith.constant 0 : index
    %get3A_1 = arith.constant 0 : index
    %get3A_2 = vector.load %arg3[%get3A, %get3A_0, %get3A_1] : memref<1x2x1000xf32, #tpu.memory_space<vmem>>, vector<1x1x1000xf32>
    %get3A_3 = vector.shape_cast %get3A_2 : vector<1x1x1000xf32> to vector<1000xf32>
    %get3A_4 = arith.constant 0 : index
    %get3A_5 = arith.constant 1 : index
    %get3A_6 = arith.constant 0 : index
    %get3A_7 = vector.load %arg3[%get3A_4, %get3A_5, %get3A_6] : memref<1x2x1000xf32, #tpu.memory_space<vmem>>, vector<1x1x1000xf32>
    %get3A_8 = vector.shape_cast %get3A_7 : vector<1x1x1000xf32> to vector<1000xf32>
    %add3A = arith.addf %get3A_3, %get3A_8 : vector<1000xf32>
    %add3A_9 = arith.constant 1.000000e+00 : f32
    %add3A_10 = vector.broadcast %add3A_9 : f32 to vector<1000xf32>
    %add3A_11 = arith.addf %add3A, %add3A_10 : vector<1000xf32>
    %rsqrt3A = math.rsqrt %add3A_11 : vector<1000xf32>
    %get3A_12 = arith.constant 0 : index
    %get3A_13 = arith.constant 0 : index
    %get3A_14 = arith.constant 0 : index
    %get3A_15 = vector.load %arg1[%get3A_12, %get3A_13, %get3A_14] : memref<2x1000x128xf32, #tpu.memory_space<vmem>>, vector<1x1000x128xf32>
    %get3A_16 = vector.shape_cast %get3A_15 : vector<1x1000x128xf32> to vector<1000x128xf32>
    %get3A_17 = arith.constant 1 : index
    %get3A_18 = arith.constant 0 : index
    %get3A_19 = arith.constant 0 : index
    %get3A_20 = vector.load %arg1[%get3A_17, %get3A_18, %get3A_19] : memref<2x1000x128xf32, #tpu.memory_space<vmem>>, vector<1x1000x128xf32>
    %get3A_21 = vector.shape_cast %get3A_20 : vector<1x1000x128xf32> to vector<1000x128xf32>
    %add3A_22 = arith.addf %get3A_16, %get3A_21 : vector<1000x128xf32>
    %get3A_23 = arith.constant 0 : index
    %get3A_24 = arith.constant 0 : index
    %get3A_25 = vector.load %arg2[%get3A_23, %get3A_24] : memref<1000x128xf32, #tpu.memory_space<vmem>>, vector<1000x128xf32>
    %add3A_26 = arith.addf %add3A_22, %get3A_25 : vector<1000x128xf32>
    %get3A_27 = arith.constant 0 : index
    %get3A_28 = arith.constant 0 : index
    %get3A_29 = vector.load %arg4[%get3A_27, %get3A_28] : memref<128x256xf32, #tpu.memory_space<vmem>>, vector<128x256xf32>
    %dot_general3A = arith.constant dense<0.000000e+00> : vector<1000x256xf32>
    %dot_general3A_30 = tpu.matmul %add3A_26, %get3A_29, %dot_general3A {dimension_numbers = #tpu.dot_dimension_numbers<[1], [0], [0], [1], [0, 0, 1, 1], [], []>, transpose_lhs_hint = false} : vector<1000x128xf32>, vector<128x256xf32>, vector<1000x256xf32> -> vector<1000x256xf32>
    %broadcast_in_dim3A = vector.shape_cast %rsqrt3A : vector<1000xf32> to vector<1000x1xf32>
    %mul3A = vector.broadcast %broadcast_in_dim3A : vector<1000x1xf32> to vector<1000x256xf32>
    %mul3A_31 = arith.mulf %dot_general3A_30, %mul3A : vector<1000x256xf32>
    %get3A_32 = arith.constant 0 : index
    %get3A_33 = arith.constant 0 : index
    %get3A_34 = vector.load %arg5[%get3A_32, %get3A_33] : memref<1x256xf32, #tpu.memory_space<vmem>>, vector<1x256xf32>
    %get3A_35 = vector.shape_cast %get3A_34 : vector<1x256xf32> to vector<256xf32>
    %broadcast_in_dim3A_36 = vector.shape_cast %get3A_35 : vector<256xf32> to vector<1x256xf32>
    %add3A_37 = vector.broadcast %broadcast_in_dim3A_36 : vector<1x256xf32> to vector<1000x256xf32>
    %add3A_38 = arith.addf %mul3A_31, %add3A_37 : vector<1000x256xf32>
    %max3A = arith.constant 0.000000e+00 : f32
    %max3A_39 = vector.broadcast %max3A : f32 to vector<1000x256xf32>
    %max3A_40 = arith.maximumf %add3A_38, %max3A_39 : vector<1000x256xf32>
    %get3A_41 = arith.constant 0 : index
    %get3A_42 = arith.constant 0 : index
    %get3A_43 = vector.load %arg6[%get3A_41, %get3A_42] : memref<256x128xf32, #tpu.memory_space<vmem>>, vector<256x128xf32>
    %dot_general3A_44 = arith.constant dense<0.000000e+00> : vector<1000x128xf32>
    %dot_general3A_45 = tpu.matmul %max3A_40, %get3A_43, %dot_general3A_44 {dimension_numbers = #tpu.dot_dimension_numbers<[1], [0], [0], [1], [0, 0, 1, 1], [], []>, transpose_lhs_hint = false} : vector<1000x256xf32>, vector<256x128xf32>, vector<1000x128xf32> -> vector<1000x128xf32>
    %broadcast_in_dim3A_46 = vector.shape_cast %rsqrt3A : vector<1000xf32> to vector<1000x1xf32>
    %mul3A_47 = vector.broadcast %broadcast_in_dim3A_46 : vector<1000x1xf32> to vector<1000x128xf32>
    %mul3A_48 = arith.mulf %dot_general3A_45, %mul3A_47 : vector<1000x128xf32>
    %swap3A = arith.constant 0 : index
    %swap3A_49 = arith.constant 0 : index
    %swap3A_50 = vector.load %arg7[%swap3A, %swap3A_49] : memref<1000x128xf32, #tpu.memory_space<vmem>>, vector<1000x128xf32>
    tpu.vector_store %arg7[%swap3A, %swap3A_49], %mul3A_48 {strides = array<i32>} : memref<1000x128xf32, #tpu.memory_space<vmem>>, vector<1000x128xf32>,
    return
  }
  func.func @transform_0(%arg0: i32) -> (i32, i32, i32) {
    %c0_i32 = arith.constant 0 : i32
    %c0_i32_0 = arith.constant 0 : i32
    %c0_i32_1 = arith.constant 0 : i32
    return %c0_i32, %arg0, %c0_i32_0 : i32, i32, i32
  }
  func.func @transform_1(%arg0: i32) -> (i32, i32) {
    %c0_i32 = arith.constant 0 : i32
    %c0_i32_0 = arith.constant 0 : i32
    return %arg0, %c0_i32 : i32, i32
  }
  func.func @transform_2(%arg0: i32) -> (i32, i32, i32) {
    %c0_i32 = arith.constant 0 : i32
    %c0_i32_0 = arith.constant 0 : i32
    %c0_i32_1 = arith.constant 0 : i32
    return %arg0, %c0_i32, %c0_i32_0 : i32, i32, i32
  }
  func.func @transform_3(%arg0: i32) -> (i32, i32) {
    %c0_i32 = arith.constant 0 : i32
    %c0_i32_0 = arith.constant 0 : i32
    %c0_i32_1 = arith.constant 0 : i32
    return %c0_i32, %c0_i32_0 : i32, i32
  }
  func.func @transform_4(%arg0: i32) -> (i32, i32) {
    %c0_i32 = arith.constant 0 : i32
    %c0_i32_0 = arith.constant 0 : i32
    %c0_i32_1 = arith.constant 0 : i32
    return %c0_i32, %c0_i32_0 : i32, i32
  }
  func.func @transform_5(%arg0: i32) -> (i32, i32) {
    %c0_i32 = arith.constant 0 : i32
    %c0_i32_0 = arith.constant 0 : i32
    %c0_i32_1 = arith.constant 0 : i32
    return %c0_i32, %c0_i32_0 : i32, i32
  }
  func.func @transform_6(%arg0: i32) -> (i32, i32) {
    %c0_i32 = arith.constant 0 : i32
    %c0_i32_0 = arith.constant 0 : i32
    return %arg0, %c0_i32 : i32, i32
  }
}

module attributes {stable_mosaic.version = 14 : i64} {
  func.func @_fin_body(%arg0: i32, %arg1: memref<2x1000x128xf32, #tpu.memory_space<vmem>>, %arg2: memref<1000x128xf32, #tpu.memory_space<vmem>>, %arg3: memref<1x2x1000xf32, #tpu.memory_space<vmem>>, %arg4: memref<1x128xf32, #tpu.memory_space<vmem>>, %arg5: memref<1000x128xf32, #tpu.memory_space<vmem>>) attributes {dimension_semantics = [#tpu.dimension_semantics<arbitrary>], iteration_bounds = array<i64: 10>, scalar_prefetch = 0 : i64, scratch_operands = 0 : i64, tpu.core_type = #tpu.core_type<tc>, window_params = [{transform_indices = @transform_0, window_bounds = array<i64: 2, 1000, 128>}, {transform_indices = @transform_1, window_bounds = array<i64: 1000, 128>}, {transform_indices = @transform_2, window_bounds = array<i64: 1, 2, 1000>}, {pipeline_mode = #tpu.pipeline_mode<synchronous>, transform_indices = @transform_3, window_bounds = array<i64: 1, 128>}, {transform_indices = @transform_4, window_bounds = array<i64: 1000, 128>}]} {
    %get3A = arith.constant 0 : index
    %get3A_0 = arith.constant 0 : index
    %get3A_1 = arith.constant 0 : index
    %get3A_2 = vector.load %arg3[%get3A, %get3A_0, %get3A_1] : memref<1x2x1000xf32, #tpu.memory_space<vmem>>, vector<1x1x1000xf32>
    %get3A_3 = vector.shape_cast %get3A_2 : vector<1x1x1000xf32> to vector<1000xf32>
    %get3A_4 = arith.constant 0 : index
    %get3A_5 = arith.constant 1 : index
    %get3A_6 = arith.constant 0 : index
    %get3A_7 = vector.load %arg3[%get3A_4, %get3A_5, %get3A_6] : memref<1x2x1000xf32, #tpu.memory_space<vmem>>, vector<1x1x1000xf32>
    %get3A_8 = vector.shape_cast %get3A_7 : vector<1x1x1000xf32> to vector<1000xf32>
    %add3A = arith.addf %get3A_3, %get3A_8 : vector<1000xf32>
    %add3A_9 = arith.constant 1.000000e+00 : f32
    %add3A_10 = vector.broadcast %add3A_9 : f32 to vector<1000xf32>
    %add3A_11 = arith.addf %add3A, %add3A_10 : vector<1000xf32>
    %rsqrt3A = math.rsqrt %add3A_11 : vector<1000xf32>
    %get3A_12 = arith.constant 0 : index
    %get3A_13 = arith.constant 0 : index
    %get3A_14 = arith.constant 0 : index
    %get3A_15 = vector.load %arg1[%get3A_12, %get3A_13, %get3A_14] : memref<2x1000x128xf32, #tpu.memory_space<vmem>>, vector<1x1000x128xf32>
    %get3A_16 = vector.shape_cast %get3A_15 : vector<1x1000x128xf32> to vector<1000x128xf32>
    %get3A_17 = arith.constant 1 : index
    %get3A_18 = arith.constant 0 : index
    %get3A_19 = arith.constant 0 : index
    %get3A_20 = vector.load %arg1[%get3A_17, %get3A_18, %get3A_19] : memref<2x1000x128xf32, #tpu.memory_space<vmem>>, vector<1x1000x128xf32>
    %get3A_21 = vector.shape_cast %get3A_20 : vector<1x1000x128xf32> to vector<1000x128xf32>
    %add3A_22 = arith.addf %get3A_16, %get3A_21 : vector<1000x128xf32>
    %get3A_23 = arith.constant 0 : index
    %get3A_24 = arith.constant 0 : index
    %get3A_25 = vector.load %arg2[%get3A_23, %get3A_24] : memref<1000x128xf32, #tpu.memory_space<vmem>>, vector<1000x128xf32>
    %add3A_26 = arith.addf %add3A_22, %get3A_25 : vector<1000x128xf32>
    %broadcast_in_dim3A = vector.shape_cast %rsqrt3A : vector<1000xf32> to vector<1000x1xf32>
    %mul3A = vector.broadcast %broadcast_in_dim3A : vector<1000x1xf32> to vector<1000x128xf32>
    %mul3A_27 = arith.mulf %add3A_26, %mul3A : vector<1000x128xf32>
    %get3A_28 = arith.constant 0 : index
    %get3A_29 = arith.constant 0 : index
    %get3A_30 = vector.load %arg4[%get3A_28, %get3A_29] : memref<1x128xf32, #tpu.memory_space<vmem>>, vector<1x128xf32>
    %get3A_31 = vector.shape_cast %get3A_30 : vector<1x128xf32> to vector<128xf32>
    %broadcast_in_dim3A_32 = vector.shape_cast %get3A_31 : vector<128xf32> to vector<1x128xf32>
    %add3A_33 = vector.broadcast %broadcast_in_dim3A_32 : vector<1x128xf32> to vector<1000x128xf32>
    %add3A_34 = arith.addf %mul3A_27, %add3A_33 : vector<1000x128xf32>
    %swap3A = arith.constant 0 : index
    %swap3A_35 = arith.constant 0 : index
    %swap3A_36 = vector.load %arg5[%swap3A, %swap3A_35] : memref<1000x128xf32, #tpu.memory_space<vmem>>, vector<1000x128xf32>
    tpu.vector_store %arg5[%swap3A, %swap3A_35], %add3A_34 {strides = array<i32>} : memref<1000x128xf32, #tpu.memory_space<vmem>>, vector<1000x128xf32>,
    return
  }
  func.func @transform_0(%arg0: i32) -> (i32, i32, i32) {
    %c0_i32 = arith.constant 0 : i32
    %c0_i32_0 = arith.constant 0 : i32
    %c0_i32_1 = arith.constant 0 : i32
    return %c0_i32, %arg0, %c0_i32_0 : i32, i32, i32
  }
  func.func @transform_1(%arg0: i32) -> (i32, i32) {
    %c0_i32 = arith.constant 0 : i32
    %c0_i32_0 = arith.constant 0 : i32
    return %arg0, %c0_i32 : i32, i32
  }
  func.func @transform_2(%arg0: i32) -> (i32, i32, i32) {
    %c0_i32 = arith.constant 0 : i32
    %c0_i32_0 = arith.constant 0 : i32
    %c0_i32_1 = arith.constant 0 : i32
    return %arg0, %c0_i32, %c0_i32_0 : i32, i32, i32
  }
  func.func @transform_3(%arg0: i32) -> (i32, i32) {
    %c0_i32 = arith.constant 0 : i32
    %c0_i32_0 = arith.constant 0 : i32
    %c0_i32_1 = arith.constant 0 : i32
    return %c0_i32, %c0_i32_0 : i32, i32
  }
  func.func @transform_4(%arg0: i32) -> (i32, i32) {
    %c0_i32 = arith.constant 0 : i32
    %c0_i32_0 = arith.constant 0 : i32
    return %arg0, %c0_i32 : i32, i32
  }
}

</mosaic_0001>

<sc_bundles>
// kernel: kernel.11.cloned.1.call-start
scs
__scs_entry_jumppad:
0x0: {  	(pc) =	sbr.rel $0x88, $3  }
0x1: {  	(tag) =	ssettag $0x0;
	lr =	simm.s32 $0x1  }
0x2: {  	[smem:$0x3F9B] =	sst lr;
	_ =	strace $0xD0000000  }
0x3: {  	_ = 	snop  }
0x4: {  	_ = 	snop  }
0x5: {  	_ = 	snop  }
0x6: {  	_ = 	snop  }
0x7: {  	_ = 	snop  }
__scs_overlays_trampoline_lowered:
0x8: {  	[smem:$0x3FAA] =	sst s0  }
0x9: {  	[smem:$0x3FAB] =	sst s1  }
0xa: {  	[smem:$0x3FAC] =	sst s2  }
0xb: {  	[smem:$0x3FAD] =	sst s3  }
0xc: {  	[smem:$0x3FAE] =	sst s4  }
0xd: {  	[smem:$0x3FAF] =	sst s5  }
0xe: {  	[smem:$0x3FB0] =	sst s6  }
0xf: {  	[smem:$0x3FB1] =	sst s7  }
0x10: {  	[smem:$0x3FB2] =	sst s8  }
0x11: {  	[smem:$0x3FB3] =	sst s9;
	s0 =	simm.s32 @!p0 $0x0  }
0x12: {  	s1 =	sld [smem:$0x3F99];
	s0 =	simm.s32 @p0 $0x1  }
0x13: {  	[smem:$0x3FB4] =	sst s0;
	s0 =	simm.s32 @!p1 $0x0  }
0x14: {  	s2 =	sld [smem:$0x3F98];
	s0 =	simm.s32 @p1 $0x1  }
0x15: {  	[smem:$0x3FB5] =	sst s0;
	s0 =	simm.s32 @!p2 $0x0  }
0x16: {  	s3 =	sld [smem:$0x3FDB];
	s0 =	simm.s32 @p2 $0x1  }
0x17: {  	s4 =	simm.s32 $0x1BF5;
	[smem:$0x3FB7] =	sst s0  }
0x18: {  	s0 =	sld [smem:$0x3F9A];
	_ =	swait.ge [sflag:s4], $0x0  }
0x19: {  	s7 =	sld [smem:$0x3F9B]  }
0x1a: {  	s8 =	sadd.s32 $0xFFFFE003, lr  }
0x1b: {  	s9 =	sadd.s32 $0xFFFFFEF7, lr;
	s5 =	simm.s32 $0xFFFFFFFF;
	p2 =	slt.u32 s8, $0xFFFFF086  }
0x1c: {  	p1 =	slt.u32 s9, $0xF7A;
	s5 =	simm.s32 @!p2 $0x0  }
0x1d: {  	s5 =	simm.s32 @p1 $0x1;
	p0 =	seq.s32 s7, s2  }
0x1e: {  	s7 =	smul.u32 @!p0 $0xF7A, s2;
	p2 =	seq.s32 @!p0 s5, $0x0  }
0x1f: {  	s9 =	smul.u32 $0xF7A, s1;
	s8 =	simm.s32 @!p0 $0x1BF5;
	p2 =	por !p2, p0  }
0x20: {  	[sflag:s8] =	ssyncset.s32 @!p0 $0xFFFFF086;
	s6 =	sadd.s32 @!p0 s3, s7;
	s7 =	simm.s32 @!p0 $0x108  }
0x21: {  	s3 =	sadd.s32 s3, s9;
	s6 =	sadd.s32 @!p0 $0x88, s6;
	s7 =	simm.s32 @p2 $0x1082  }
0x22: {  	[simem:s7], [sflag:s8] =	dma.local @!p0 [hbm:s6], $0xF7A  }
0x23: {  	s9 =	sor.u32 $0xD0000000, s2;
	s6 =	simm.s32 $0x108;
	_ =	swait.ge @!p0 [sflag:s8], $0x0  }
0x24: {  	s3 =	sadd.s32 $0x88, s3;
	s6 =	simm.s32 @!p1 $0x1082;
	[sflag:s4] =	ssyncset.s32 $0xFFFFF086  }
0x25: {  	[simem:s6], [sflag:s4] =	dma.local [hbm:s3], $0xF7A  }
0x26: {  	[smem:$0x3F9B] =	sst s1;
	(tag) =	ssettag s2;
	_ =	strace s9  }
0x27: {  	s1 =	sld [smem:$0x3FAB]  }
0x28: {  	s2 =	sld [smem:$0x3FAC]  }
0x29: {  	s4 =	sld [smem:$0x3FAE]  }
0x2a: {  	p0 =	seq.s32 s5, $0x0;
	s5 =	sld [smem:$0x3FAF]  }
0x2b: {  	s6 =	sld [smem:$0x3FB0]  }
0x2c: {  	s7 =	sld [smem:$0x3FB1]  }
0x2d: {  	s3 =	simm.s32 $0x108;
	s8 =	sld [smem:$0x3FB2]  }
0x2e: {  	s3 =	simm.s32 @!p0 $0x1082;
	s9 =	sld [smem:$0x3FB3]  }
0x2f: {  	lr =	sadd.s32 s0, s3;
	s0 =	sld [smem:$0x3FAA]  }
0x30: {  	s3 =	sld [smem:$0x3FAD]  }
0x31: {  	[smem:$0x3FB6] =	sst s10  }
0x32: {  	s10 =	sld [smem:$0x3FB4];
	_ =	sdelay $0x3  }
0x33: {  	p0 =	seq.s32 s10, $0x1;
	s10 =	sld [smem:$0x3FB6];
	_ =	sdelay $0x3  }
0x34: {  	[smem:$0x3FB6] =	sst s10  }
0x35: {  	s10 =	sld [smem:$0x3FB5];
	_ =	sdelay $0x3  }
0x36: {  	p1 =	seq.s32 s10, $0x1;
	s10 =	sld [smem:$0x3FB6];
	_ =	sdelay $0x3  }
0x37: {  	[smem:$0x3FB6] =	sst s10  }
0x38: {  	s10 =	sld [smem:$0x3FB7]  }
0x39: {  	_ = 	snop;
	(pc) =	sbr.ind lr, $3  }
0x3a: {  	_ = 	snop  }
0x3b: {  	_ = 	snop  }
0x3c: {  	p2 =	seq.s32 s10, $0x1;
	s10 =	sld [smem:$0x3FB6]  }
0x3d: {  	_ =	shalt  }
0x3e: {  	_ =	shalt  }
0x3f: {  	_ =	shalt  }
0x40: {  	_ =	shalt  }
0x41: {  	_ =	shalt  }
0x42: {  	_ =	shalt  }
0x43: {  	_ =	shalt  }
0x44: {  	_ =	shalt  }
0x45: {  	_ =	shalt  }
0x46: {  	_ =	shalt  }
0x47: {  	_ =	shalt  }
0x48: {  	_ =	shalt  }
0x49: {  	_ =	shalt  }
0x4a: {  	_ =	shalt  }
0x4b: {  	_ =	shalt  }
0x4c: {  	_ =	shalt  }
0x4d: {  	_ =	shalt  }
0x4e: {  	_ =	shalt  }
0x4f: {  	_ =	shalt  }
0x50: {  	_ =	shalt  }
0x51: {  	_ =	shalt  }
0x52: {  	_ =	shalt  }
0x53: {  	_ =	shalt  }
0x54: {  	_ =	shalt  }
0x55: {  	_ =	shalt  }
0x56: {  	_ =	shalt  }
0x57: {  	_ =	shalt  }
0x58: {  	_ =	shalt  }
0x59: {  	_ =	shalt  }
0x5a: {  	_ =	shalt  }
0x5b: {  	_ =	shalt  }
0x5c: {  	_ =	shalt  }
0x5d: {  	_ =	shalt  }
0x5e: {  	_ =	shalt  }
0x5f: {  	_ =	shalt  }
0x60: {  	_ =	shalt  }
0x61: {  	_ =	shalt  }
0x62: {  	_ =	shalt  }
0x63: {  	_ =	shalt  }
0x64: {  	_ =	shalt  }
0x65: {  	_ =	shalt  }
0x66: {  	_ =	shalt  }
0x67: {  	_ =	shalt  }
0x68: {  	_ =	shalt  }
0x69: {  	_ =	shalt  }
0x6a: {  	_ =	shalt  }
0x6b: {  	_ =	shalt  }
0x6c: {  	_ =	shalt  }
0x6d: {  	_ =	shalt  }
0x6e: {  	_ =	shalt  }
0x6f: {  	_ =	shalt  }
0x70: {  	_ =	shalt  }
0x71: {  	_ =	shalt  }
0x72: {  	_ =	shalt  }
0x73: {  	_ =	shalt  }
0x74: {  	_ =	shalt  }
0x75: {  	_ =	shalt  }
0x76: {  	_ =	shalt  }
0x77: {  	_ =	shalt  }
0x78: {  	_ =	shalt  }
0x79: {  	_ =	shalt  }
0x7a: {  	_ =	shalt  }
0x7b: {  	_ =	shalt  }
0x7c: {  	_ =	shalt  }
0x7d: {  	_ =	shalt  }
0x7e: {  	_ =	shalt  }
0x7f: {  	_ =	shalt  }
0x80: {  	_ =	shalt  }
0x81: {  	_ =	shalt  }
0x82: {  	_ =	shalt  }
0x83: {  	_ =	shalt  }
0x84: {  	_ =	shalt  }
0x85: {  	_ =	shalt  }
0x86: {  	_ =	shalt  }
0x87: {  	_ =	shalt  }
.Lfunc_end0:
.L_simem_size_0:
called_computation.1_lowered:
.L_overlay_start_0:
0x88: {  	s2 =	sld [smem:$0x3FD9]  }
0x89: {  	s3 =	sld [smem:$0x3FFE];
	_ =	sdelay $0x1  }
0x8a: {  	s1 =	srdreg.scid  }
0x8b: {  	s0 =	sand.u32 $0x1, s1  }
0x8c: {  	s17 =	sshll.u32 s0, $0xA;
	s2 =	sadd.s32 s3, s2  }
0x8d: {  	s2 =	sadd.s32 s2, s17  }
0x8e: {  	[smem:$0x3FC2] =	sst s2  }
0x8f: {  	_ = 	snop  }
0x90: {  	s2 =	sld [smem:$0x3FD0];
	(tm) =	ssettm $0x1  }
0x91: {  	s18 =	sld [smem:$0x3FFB];
	_ =	sdelay $0x3  }
0x92: {  	_ =	strace s18  }
0x93: {  	s3 =	sld [smem:$0x3FFC];
	_ =	sdelay $0x3  }
0x94: {  	_ =	strace s3  }
0x95: {  	s3 =	sld [smem:$0x3FFD];
	_ =	sdelay $0x3  }
0x96: {  	_ =	strace s3  }
0x97: {  	_ =	strace $0x8FFFFFFF  }
0x98: {  	s19 =	sld [smem:$0x3FDB];
	_ =	sdelay $0x1  }
0x99: {  	s4 =	simm.s32 $_scs_section_size  }
0x9a: {  	s5 =	simm.s32 $_size__tile_overlayer_lowered;
	s6 =	simm.s32 $_tile_overlayer_lowered  }
0x9b: {  	s22 =	simm.s32 $0x1BFF;
	s21 =	sshll.u32 s6, $0x1;
	s3 =	sadd.s32 s4, s19  }
0x9c: {  	s7 =	simm.s32 $0x0;
	s20 =	sshll.u32 s5, $0x1;
	s5 =	sadd.s32 s21, s3  }
0x9d: {  	[timem:s7], [sflag:s22] =	dma.local [hbm:s5], s20  }
0x9e: {  	_ =	swait.ge [sflag:s22], s20  }
0x9f: {  	s4 =	ssub.s32 $0x0, s20;
	[sflag:s22] =	ssyncset.done $0x0  }
0xa0: {  	[sflag:s22] =	ssyncadd.s32 s4;
	_ =	sdelay $0x1  }
0xa1: {  	s23 =	simm.s32 $0x1B8B  }
0xa2: {  	_ =	swait.ge [sflag:s23], $0x1  }
0xa3: {  	[sflag:s23] =	ssyncset.done $0x0  }
0xa4: {  	s25 =	simm.s32 $0x1B8E;
	s24 =	sld [smem:$0x3FFE];
	[sflag:s23] =	ssyncadd.s32 $0xFFFFFFFF  }
0xa5: {  	s26 =	simm.s32 $execute0_lowered;
	[smem:$0x3FD2] =	sst s25  }
0xa6: {  	s5 =	sshll.u32 s26, $0x1;
	_ =	strace $0x80000049;
	[dreg:$0x1] =	wrdreg $0xFFFFFFFF  }
0xa7: {  	s28 =	simm.s32 $_size_execute0_lowered;
	s3 =	sadd.s32 s3, s5;
	[dreg:$0x0] =	wrdreg $0x0  }
0xa8: {  	s5 =	sshll.u32 s28, $0x1;
	[dreg:$0x2] =	wrdreg s3  }
0xa9: {  	[dreg:$0x3] =	wrdreg s5  }
0xaa: {  	[dreg:$0x4] =	wrdreg $0xC0  }
0xab: {  	_ =	task [dreg:s7], $0x5FFFF  }
0xac: {  	[dreg:$0x1] =	wrdreg $0xFFFFFFFF  }
0xad: {  	[dreg:$0x0] =	wrdreg $0x60  }
0xae: {  	[dreg:$0x2] =	wrdreg s2  }
0xaf: {  	[dreg:$0x3] =	wrdreg s24  }
0xb0: {  	[dreg:$0x4] =	wrdreg $0x0  }
0xb1: {  	[dreg:$0x5] =	wrdreg $0x9  }
0xb2: {  	_ =	task.clear_ibuf [dreg:s7], $0x6FFFF;
	_ =	strace $0x90000049  }
0xb3: {  	s29 =	simm.s32 $0x9;
	_ =	strace $0x8000004B  }
0xb4: {  	_ =	swait.ge [sflag:s29], $0x1  }
0xb5: {  	[sflag:s29] =	ssyncadd.s32 $0xFFFFFFFF  }
0xb6: {  	_ =	strace $0x9000004B  }
0xb7: {  	_ =	sfence  }
0xb8: {  	s30 =	sld [smem:$0x0];
	_ =	sdelay $0x2  }
0xb9: {  	s31 =	sshll.u32 s1, $0xD;
	s1 =	sshrl.u32 s1, $0x2  }
0xba: {  	s3 =	sand.u32 $0x4000, s31;
	s1 =	sadd.s32 s1, s30  }
0xbb: {  	s0 =	sor.u32 s3, s0;
	s1 =	sshll.u32 s1, $0x11  }
0xbc: {  	s0 =	sor.u32 s1, s0  }
0xbd: {  	s0 =	sadd.s32 $0x8F2B, s0  }
0xbe: {  	[sflag:s0] =	ssyncadd.remote.s32 $0x1  }
0xbf: {  	_ =	sfence.sel $0xFFFF  }
0xc0: {  	[dreg:$0x0] =	wrdreg $0xFFFFFFFF;
	(pc) =	sbr.abs _section_cstart, $3  }
0xc1: {  	[dreg:$0x1] =	wrdreg $0xFFFFFFFF  }
0xc2: {  	_ =	task.clear_ibuf [dreg:s7], $0x2FFFF;
	_ =	strace $0x9FFFFFFF  }
0xc3: {  	(tm) =	ssettm $0x7FFFFFFF  }
tec
execute0_lowered:
.L_overlay_start_1:
0x0: {  	(tag) =	ssettag $0x1  }
0x1: {  	s1 =	rddreg [dreg:$0x0]  }
0x2: {  	s0 =	rddreg [dreg:$0x1]  }
0x3: {  	s3 =	rddreg [dreg:$0x2];
	s4 =	simm.s32 $0x0;
	s20 =	stileid.u32  }
0x4: {  	s5 =	srdreg.scid;
	s28 =	simm.s32 $0x80;
	s29 =	simm.s32 $0x13B80  }
0x5: {  	s30 =	simm.s32 $0x17B80;
	s31 =	simm.s32 $0x1BB80;
	s2 =	smul.u32 $0x2700, s20  }
0x6: {  	[smem:$0x7FF] =	sst s4;
	s9 =	sand.u32 $0x1, s5;
	s26 =	smul.u32 $0x4E000, s20  }
0x7: {  	s10 =	sadd.s32 $0x2000, s0;
	s11 =	sadd.s32 $0xBE00, s0;
	s12 =	sadd.s32 $0x3CE00, s0  }
0x8: {  	s19 =	sshll.u32 s20, $0x4;
	p0 =	seq.s32 s20, $0xF;
	s15 =	smul.u32 $0x138800, s9  }
0x9: {  	_ =	strace $0x8000004A;
	s6 =	ssub.s32 $0x2, s9;
	s16 =	smul.u32 $0x27100, s9  }
0xa: {  	s14 =	sshll.u32 s9, $0x4;
	s9 =	smul.u32 $0x27000, s9;
	s7 =	sadd.s32 s2, s0  }
0xb: {  	s8 =	sshrl.u32 s6, $0x1;
	s5 =	sshrl.u32 s26, $0x2;
	s0 =	sadd.s32 $0x3A500, s0  }
0xc: {  	s13 =	ssub.s32 s6, s8;
	s5 =	sadd.s32 s5, s3;
	s7 =	sadd.s32 $0x15C00, s7  }
0xd: {  	[dreg:$0x5] =	wrdreg s0;
	s8 =	sor.u32 s20, s14;
	s18 =	sshrl.u32 s15, $0x3  }
0xe: {  	s15 =	sor.u32 $0x9C00, s19;
	s23 =	sadd.s32 s2, s16;
	s2 =	sadd.s32 s2, s9  }
0xf: {  	s20 =	simm.s32 $0x13880;
	s0 =	simm.s32 $0x2;
	[dreg:$0x4] =	wrdreg s7  }
0x10: {  	s7 =	sadd.s32 $0x124800, s3;
	s14 =	sadd.s32 s12, s18;
	s22 =	sadd.s32 s10, s15  }
0x11: {  	s24 =	sadd.s32 s11, s15;
	s25 =	sadd.s32 s12, s23;
	s13 =	smax.u32 s13, $0x1  }
0x12: {  	s9 =	sshrl.u32 s2, $0x3;
	s26 =	sadd.s32 $0x100, s2;
	[dreg:$0x7] =	wrdreg s22  }
0x13: {  	s2 =	sor.u32 $0x80, s2;
	s23 =	simm.s32 $0x13A80;
	[dreg:$0x8] =	wrdreg s24  }
0x14: {  	p1 =	sgt.u32 s8, $0x3;
	s21 =	sadd.s32 $0x24900, s14;
	[dreg:$0x9] =	wrdreg s25  }
0x15: {  	s14 =	sadd.s32 s9, s11;
	s12 =	sshrl.u32 s26, $0x3;
	s15 =	sadd.s32 s9, s10  }
.Ltmp0:
0x16: {  	s2 =	sshrl.u32 s2, $0x3;
	s22 =	simm.s32 $0x13900;
	(pc) =	sbr.rel .LBB2_1-.Ltmp0, $4  }
0x17: {  	s24 =	simm.s32 $0x13980;
	s25 =	simm.s32 $0x13B00;
	s26 =	simm.s32 $0x1  }
0x18: {  	s9 =	simm.s32 $0x3;
	[dreg:$0x6] =	wrdreg s21;
	s16 =	sadd.s32 s12, s11  }
0x19: {  	s17 =	sadd.s32 s12, s10;
	s18 =	sadd.s32 s2, s11;
	s19 =	sadd.s32 s2, s10  }
0x1a: {  	s21 =	simm.s32 $0x13A00;
	s10 =	simm.s32 $0x4;
	s11 =	simm.s32 $0x0  }
.LBB2_7:
0x1b: {  	s2 =	sshrl.u32 s7, $0x3;
	s6 =	rddreg [dreg:$0x6];
	s8 =	simm.s32 $0x1FC4  }
0x1c: {  	[hbm:s6], [sflag:s8] =	dma.local [spmem:s2], $0x2800  }
0x1d: {  	_ =	swait.ge [sflag:s10], $0x2800  }
0x1e: {  	[sflag:s10] =	ssyncset.done $0x0  }
0x1f: {  	[sflag:s10] =	ssyncadd.s32 $0xFFFFD800  }
.LBB2_8:
0x20: {  	s11 =	sadd.s32 $0x1, s11  }
0x21: {  	p2 =	sne.s32 s11, s13  }
.Ltmp1:
0x22: {  	_ = 	snop;
	(pc) =	sbr.rel @!p2 .LBB2_9-.Ltmp1, $1  }
0x23: {  	_ =	sdelay $0x3  }
.LBB2_1:
0x24: {  	s2 =	sshrl.u32 @p0 s7, $0x3;
	s12 =	simm.s32 @p0 $0x1FC4;
	s6 =	rddreg [dreg:$0x5]  }
0x25: {  	[spmem:s2], [sflag:s12] =	dma.local @p0 [hbm:s6], $0x2800  }
0x26: {  	s2 =	simm.s32 @p0 $0x4  }
0x27: {  	s6 =	stileid.u32;
	_ =	swait.ge @p0 [sflag:s2], $0x2800  }
0x28: {  	s12 =	sshll.u32 @!p0 s6, $0x6;
	[sflag:s2] =	ssyncset.done @p0 $0x0;
	s6 =	rddreg [dreg:$0x4]  }
0x29: {  	[sflag:s2] =	ssyncadd.s32 @p0 $0xFFFFD800;
	s2 =	sor.u32 @!p0 $0x1C04, s12;
	s12 =	sshrl.u32 @!p0 s5, $0x3  }
0x2a: {  	[spmem:s12], [sflag:s2] =	dma.local @!p0 [hbm:s6], $0x2700  }
0x2b: {  	s2 =	simm.s32 @!p0 $0x4  }
0x2c: {  	_ =	swait.ge @!p0 [sflag:s2], $0x2700  }
0x2d: {  	[sflag:s2] =	ssyncset.done @!p0 $0x0  }
0x2e: {  	p2 =	por $0x1, $0x1;
	[sflag:s2] =	ssyncadd.s32 @!p0 $0xFFFFD900  }
0x2f: {  	s2 =	simm.s32 @!p2 $0x3;
	[bflag:$0x0] =	sbarrier.arrive $0xFFFF  }
0x30: {  	_ =	swait.ge @!p2 [sflag:s2], $0x4000  }
0x31: {  	[sflag:s2] =	ssyncset.done @!p2 $0x0  }
0x32: {  	[sflag:s2] =	ssyncadd.s32 @!p2 $0xFFFFC000  }
0x33: {  	_ =	swait.ge @!p2 [sflag:s2], $0x4000  }
0x34: {  	[sflag:s2] =	ssyncset.done @!p2 $0x0  }
0x35: {  	[sflag:s2] =	ssyncadd.s32 @!p2 $0xFFFFC000  }
0x36: {  	_ =	swait.ge @!p2 [sflag:s2], $0x4000  }
0x37: {  	[sflag:s2] =	ssyncset.done @!p2 $0x0  }
0x38: {  	s6 =	sadd.s32 $0x0, s15;
	[sflag:s2] =	ssyncadd.s32 @!p2 $0xFFFFC000  }
0x39: {  	[tilespmem:s20], [sflag:$0x1] =	stream.linear.gather [hbm4b:s6+s4], $0x80, $0x38;
	[tilespmem:$0x1FB80] =	vst v63  }
0x3a: {  	s8 =	sadd.s32 $0x0, s14  }
0x3b: {  	[tilespmem:s21], [sflag:$0x1] =	stream.linear.gather [hbm4b:s8+s4], $0x80, $0x38;
	[tilespmem:$0x1FB80] =	vst v63  }
0x3c: {  	s12 =	sadd.s32 $0x0, s19  }
0x3d: {  	[tilespmem:s22], [sflag:$0x1] =	stream.linear.gather [hbm4b:s12+s4], $0x80, $0x38;
	[tilespmem:$0x1FB80] =	vst v63  }
0x3e: {  	s6 =	sadd.s32 $0x0, s18  }
0x3f: {  	[tilespmem:s23], [sflag:$0x1] =	stream.linear.gather [hbm4b:s6+s4], $0x80, $0x38;
	[tilespmem:$0x1FB80] =	vst v63  }
0x40: {  	s8 =	sadd.s32 $0x0, s17  }
0x41: {  	[tilespmem:s24], [sflag:$0x1] =	stream.linear.gather [hbm4b:s8+s4], $0x80, $0x38;
	[tilespmem:$0x1FB80] =	vst v63  }
0x42: {  	s12 =	sadd.s32 $0x0, s16  }
0x43: {  	[tilespmem:s25], [sflag:$0x1] =	stream.linear.gather [hbm4b:s12+s4], $0x80, $0x38;
	[tilespmem:$0x1FB80] =	vst v63  }
0x44: {  	_ =	swait.ge [sflag:s26], $0x80  }
0x45: {  	[sflag:s26] =	ssyncset.done $0x0  }
0x46: {  	[sflag:s26] =	ssyncadd.s32 $0xFFFFFF80  }
0x47: {  	_ =	swait.ge [sflag:s26], $0x80  }
0x48: {  	[sflag:s26] =	ssyncset.done $0x0  }
0x49: {  	[sflag:s26] =	ssyncadd.s32 $0xFFFFFF80  }
0x4a: {  	_ =	swait.ge [sflag:s26], $0x80  }
0x4b: {  	[sflag:s26] =	ssyncset.done $0x0  }
0x4c: {  	[sflag:s26] =	ssyncadd.s32 $0xFFFFFF80  }
0x4d: {  	_ =	swait.ge [sflag:s26], $0x80  }
0x4e: {  	[sflag:s26] =	ssyncset.done $0x0  }
0x4f: {  	[sflag:s26] =	ssyncadd.s32 $0xFFFFFF80  }
0x50: {  	_ =	swait.ge [sflag:s26], $0x80  }
0x51: {  	[sflag:s26] =	ssyncset.done $0x0  }
0x52: {  	[sflag:s26] =	ssyncadd.s32 $0xFFFFFF80  }
0x53: {  	_ =	swait.ge [sflag:s26], $0x80  }
0x54: {  	[sflag:s26] =	ssyncset.done $0x0  }
0x55: {  	[sflag:s26] =	ssyncadd.s32 $0xFFFFFF80  }
0x56: {  	[tilespmem:s29], [sflag:$0x2] =	stream.indirect.gather [hbm4b:s1+s28], $0x80, s20, s28, $0xb8;
	[tilespmem:$0x1FB80] =	vst v63  }
0x57: {  	_ = 	snop  }
0x58: {  	[tilespmem:s30], [sflag:$0x2] =	stream.indirect.gather [hbm4b:s1+s28], $0x80, s22, s28, $0xb8;
	[tilespmem:$0x1FB80] =	vst v63  }
0x59: {  	_ = 	snop  }
0x5a: {  	[tilespmem:s31], [sflag:$0x2] =	stream.indirect.gather [hbm4b:s1+s28], $0x80, s24, s28, $0xb8;
	[tilespmem:$0x1FB80] =	vst v63  }
0x5b: {  	_ =	swait.ge [sflag:s0], $0x4000  }
0x5c: {  	[sflag:s0] =	ssyncset.done $0x0  }
0x5d: {  	[sflag:s0] =	ssyncadd.s32 $0xFFFFC000  }
0x5e: {  	_ =	swait.ge [sflag:s0], $0x4000  }
0x5f: {  	[sflag:s0] =	ssyncset.done $0x0  }
0x60: {  	[sflag:s0] =	ssyncadd.s32 $0xFFFFC000  }
0x61: {  	_ =	swait.ge [sflag:s0], $0x4000  }
0x62: {  	[sflag:s0] =	ssyncset.done $0x0  }
0x63: {  	[sflag:s0] =	ssyncadd.s32 $0xFFFFC000  }
0x64: {  	[spmem:s3] =	stream.indirect.scatter.add.f32 [tilespmem:s29], [sflag:$0x3], $0x80, s21, s28, $0xb8;
	[tilespmem:$0x1FB80] =	vst v63  }
0x65: {  	p3 =	por $0x0, $0x0;
	s2 =	simm.s32 $0x60;
	s12 =	simm.s32 $0x30  }
0x66: {  	[spmem:s3] =	stream.indirect.scatter.add.f32 [tilespmem:s30], [sflag:$0x3], $0x80, s23, s28, $0xb8;
	[tilespmem:$0x1FB80] =	vst v63  }
.LBB2_2:
0x67: {  	s6 =	simm.s32 @!p3 $0x3;
	s8 =	smov.u32 s2;
	s2 =	sadd.s32 $0x30, s2  }
0x68: {  	[spmem:s3] =	stream.indirect.scatter.add.f32 [tilespmem:s31], [sflag:$0x3], $0x80, s25, s28, $0xb8;
	[tilespmem:$0x1FB80] =	vst v63  }
0x69: {  	p2 =	sne.s32 s2, $0x4E0;
	_ =	swait.ge @!p3 [sflag:s6], $0x4000  }
0x6a: {  	[sflag:s6] =	ssyncset.done @!p3 $0x0  }
0x6b: {  	[sflag:s6] =	ssyncadd.s32 @!p3 $0xFFFFC000  }
0x6c: {  	_ =	swait.ge @!p3 [sflag:s6], $0x4000  }
0x6d: {  	[sflag:s6] =	ssyncset.done @!p3 $0x0  }
0x6e: {  	[sflag:s6] =	ssyncadd.s32 @!p3 $0xFFFFC000  }
0x6f: {  	_ =	swait.ge @!p3 [sflag:s6], $0x4000  }
0x70: {  	[sflag:s6] =	ssyncset.done @!p3 $0x0  }
0x71: {  	[sflag:s6] =	ssyncadd.s32 @!p3 $0xFFFFC000;
	s6 =	sadd.s32 s12, s15  }
0x72: {  	[tilespmem:s20], [sflag:$0x1] =	stream.linear.gather [hbm4b:s6+s4], $0x80, $0x38;
	[tilespmem:$0x1FB80] =	vst v63  }
0x73: {  	s6 =	sadd.s32 s12, s14  }
0x74: {  	[tilespmem:s21], [sflag:$0x1] =	stream.linear.gather [hbm4b:s6+s4], $0x80, $0x38;
	[tilespmem:$0x1FB80] =	vst v63  }
0x75: {  	s6 =	sadd.s32 s12, s19  }
0x76: {  	[tilespmem:s22], [sflag:$0x1] =	stream.linear.gather [hbm4b:s6+s4], $0x80, $0x38;
	[tilespmem:$0x1FB80] =	vst v63  }
0x77: {  	s6 =	sadd.s32 s12, s18  }
0x78: {  	[tilespmem:s23], [sflag:$0x1] =	stream.linear.gather [hbm4b:s6+s4], $0x80, $0x38;
	[tilespmem:$0x1FB80] =	vst v63  }
0x79: {  	s6 =	sadd.s32 s12, s17  }
0x7a: {  	[tilespmem:s24], [sflag:$0x1] =	stream.linear.gather [hbm4b:s6+s4], $0x80, $0x38;
	[tilespmem:$0x1FB80] =	vst v63  }
0x7b: {  	s6 =	sadd.s32 s12, s16;
	s12 =	smov.u32 s8  }
0x7c: {  	[tilespmem:s25], [sflag:$0x1] =	stream.linear.gather [hbm4b:s6+s4], $0x80, $0x38;
	[tilespmem:$0x1FB80] =	vst v63  }
0x7d: {  	_ =	swait.ge [sflag:s26], $0x80  }
0x7e: {  	[sflag:s26] =	ssyncset.done $0x0  }
0x7f: {  	[sflag:s26] =	ssyncadd.s32 $0xFFFFFF80  }
0x80: {  	_ =	swait.ge [sflag:s26], $0x80  }
0x81: {  	[sflag:s26] =	ssyncset.done $0x0  }
0x82: {  	[sflag:s26] =	ssyncadd.s32 $0xFFFFFF80  }
0x83: {  	_ =	swait.ge [sflag:s26], $0x80  }
0x84: {  	[sflag:s26] =	ssyncset.done $0x0  }
0x85: {  	[sflag:s26] =	ssyncadd.s32 $0xFFFFFF80  }
0x86: {  	_ =	swait.ge [sflag:s26], $0x80  }
0x87: {  	[sflag:s26] =	ssyncset.done $0x0  }
0x88: {  	[sflag:s26] =	ssyncadd.s32 $0xFFFFFF80  }
0x89: {  	_ =	swait.ge [sflag:s26], $0x80  }
0x8a: {  	[sflag:s26] =	ssyncset.done $0x0  }
0x8b: {  	[sflag:s26] =	ssyncadd.s32 $0xFFFFFF80  }
0x8c: {  	_ =	swait.ge [sflag:s26], $0x80  }
0x8d: {  	[sflag:s26] =	ssyncset.done $0x0  }
0x8e: {  	[sflag:s26] =	ssyncadd.s32 $0xFFFFFF80  }
0x8f: {  	[tilespmem:s29], [sflag:$0x2] =	stream.indirect.gather [hbm4b:s1+s28], $0x80, s20, s28, $0xb8;
	[tilespmem:$0x1FB80] =	vst v63  }
0x90: {  	_ = 	snop  }
0x91: {  	[tilespmem:s30], [sflag:$0x2] =	stream.indirect.gather [hbm4b:s1+s28], $0x80, s22, s28, $0xb8;
	[tilespmem:$0x1FB80] =	vst v63  }
0x92: {  	_ = 	snop  }
0x93: {  	[tilespmem:s31], [sflag:$0x2] =	stream.indirect.gather [hbm4b:s1+s28], $0x80, s24, s28, $0xb8;
	[tilespmem:$0x1FB80] =	vst v63  }
0x94: {  	_ =	swait.ge [sflag:s0], $0x4000  }
0x95: {  	[sflag:s0] =	ssyncset.done $0x0  }
0x96: {  	[sflag:s0] =	ssyncadd.s32 $0xFFFFC000  }
0x97: {  	_ =	swait.ge [sflag:s0], $0x4000  }
0x98: {  	[sflag:s0] =	ssyncset.done $0x0  }
0x99: {  	[sflag:s0] =	ssyncadd.s32 $0xFFFFC000  }
0x9a: {  	_ =	swait.ge [sflag:s0], $0x4000  }
.Ltmp2:
0x9b: {  	[sflag:s0] =	ssyncset.done $0x0;
	(pc) =	sbr.rel @p2 .LBB2_2-.Ltmp2, $4  }
0x9c: {  	[sflag:s0] =	ssyncadd.s32 $0xFFFFC000  }
0x9d: {  	[spmem:s3] =	stream.indirect.scatter.add.f32 [tilespmem:s29], [sflag:$0x3], $0x80, s21, s28, $0xb8;
	[tilespmem:$0x1FB80] =	vst v63  }
0x9e: {  	p3 =	seq.s32 s12, $0x0  }
0x9f: {  	[spmem:s3] =	stream.indirect.scatter.add.f32 [tilespmem:s30], [sflag:$0x3], $0x80, s23, s28, $0xb8;
	[tilespmem:$0x1FB80] =	vst v63  }
0xa0: {  	s2 =	simm.s32 @!p3 $0x3  }
0xa1: {  	[spmem:s3] =	stream.indirect.scatter.add.f32 [tilespmem:s31], [sflag:$0x3], $0x80, s25, s28, $0xb8;
	[tilespmem:$0x1FB80] =	vst v63  }
0xa2: {  	_ =	swait.ge @!p3 [sflag:s2], $0x4000  }
0xa3: {  	[sflag:s2] =	ssyncset.done @!p3 $0x0  }
0xa4: {  	[sflag:s2] =	ssyncadd.s32 @!p3 $0xFFFFC000  }
0xa5: {  	_ =	swait.ge @!p3 [sflag:s2], $0x4000  }
0xa6: {  	[sflag:s2] =	ssyncset.done @!p3 $0x0  }
0xa7: {  	[sflag:s2] =	ssyncadd.s32 @!p3 $0xFFFFC000  }
0xa8: {  	_ =	swait.ge @!p3 [sflag:s2], $0x4000  }
0xa9: {  	[sflag:s2] =	ssyncset.done @!p3 $0x0  }
0xaa: {  	s8 =	sadd.s32 s12, s15;
	[sflag:s2] =	ssyncadd.s32 @!p3 $0xFFFFC000  }
0xab: {  	[tilespmem:s20], [sflag:$0x1] =	stream.linear.gather [hbm4b:s8+s4], $0x80, $0x38;
	[tilespmem:$0x1FB80] =	vst v63  }
0xac: {  	s6 =	sadd.s32 s12, s14  }
0xad: {  	[tilespmem:s21], [sflag:$0x1] =	stream.linear.gather [hbm4b:s6+s4], $0x80, $0x38;
	[tilespmem:$0x1FB80] =	vst v63  }
0xae: {  	s8 =	sadd.s32 s12, s19  }
0xaf: {  	[tilespmem:s22], [sflag:$0x1] =	stream.linear.gather [hbm4b:s8+s4], $0x80, $0x38;
	[tilespmem:$0x1FB80] =	vst v63  }
0xb0: {  	s6 =	sadd.s32 s12, s18  }
0xb1: {  	[tilespmem:s23], [sflag:$0x1] =	stream.linear.gather [hbm4b:s6+s4], $0x80, $0x38;
	[tilespmem:$0x1FB80] =	vst v63  }
0xb2: {  	s8 =	sadd.s32 s12, s17  }
0xb3: {  	[tilespmem:s24], [sflag:$0x1] =	stream.linear.gather [hbm4b:s8+s4], $0x80, $0x38;
	[tilespmem:$0x1FB80] =	vst v63  }
0xb4: {  	s12 =	sadd.s32 s12, s16  }
0xb5: {  	[tilespmem:s25], [sflag:$0x1] =	stream.linear.gather [hbm4b:s12+s4], $0x80, $0x38;
	[tilespmem:$0x1FB80] =	vst v63  }
0xb6: {  	_ =	swait.ge [sflag:s26], $0x80  }
0xb7: {  	[sflag:s26] =	ssyncset.done $0x0  }
0xb8: {  	[sflag:s26] =	ssyncadd.s32 $0xFFFFFF80  }
0xb9: {  	_ =	swait.ge [sflag:s26], $0x80  }
0xba: {  	[sflag:s26] =	ssyncset.done $0x0  }
0xbb: {  	[sflag:s26] =	ssyncadd.s32 $0xFFFFFF80  }
0xbc: {  	_ =	swait.ge [sflag:s26], $0x80  }
0xbd: {  	[sflag:s26] =	ssyncset.done $0x0  }
0xbe: {  	[sflag:s26] =	ssyncadd.s32 $0xFFFFFF80  }
0xbf: {  	_ =	swait.ge [sflag:s26], $0x80  }
0xc0: {  	[sflag:s26] =	ssyncset.done $0x0  }
0xc1: {  	[sflag:s26] =	ssyncadd.s32 $0xFFFFFF80  }
0xc2: {  	_ =	swait.ge [sflag:s26], $0x80  }
0xc3: {  	[sflag:s26] =	ssyncset.done $0x0  }
0xc4: {  	[sflag:s26] =	ssyncadd.s32 $0xFFFFFF80  }
0xc5: {  	_ =	swait.ge [sflag:s26], $0x80  }
0xc6: {  	[sflag:s26] =	ssyncset.done $0x0  }
0xc7: {  	[sflag:s26] =	ssyncadd.s32 $0xFFFFFF80  }
0xc8: {  	[tilespmem:s29], [sflag:$0x2] =	stream.indirect.gather [hbm4b:s1+s28], $0x80, s20, s28, $0xb8;
	[tilespmem:$0x1FB80] =	vst v63  }
0xc9: {  	_ = 	snop  }
0xca: {  	[tilespmem:s30], [sflag:$0x2] =	stream.indirect.gather [hbm4b:s1+s28], $0x80, s22, s28, $0xb8;
	[tilespmem:$0x1FB80] =	vst v63  }
0xcb: {  	_ = 	snop  }
0xcc: {  	[tilespmem:s31], [sflag:$0x2] =	stream.indirect.gather [hbm4b:s1+s28], $0x80, s24, s28, $0xb8;
	[tilespmem:$0x1FB80] =	vst v63  }
0xcd: {  	_ =	swait.ge [sflag:s0], $0x4000  }
0xce: {  	[sflag:s0] =	ssyncset.done $0x0  }
0xcf: {  	[sflag:s0] =	ssyncadd.s32 $0xFFFFC000  }
0xd0: {  	_ =	swait.ge [sflag:s0], $0x4000  }
0xd1: {  	[sflag:s0] =	ssyncset.done $0x0  }
0xd2: {  	[sflag:s0] =	ssyncadd.s32 $0xFFFFC000  }
0xd3: {  	_ =	swait.ge [sflag:s0], $0x4000  }
0xd4: {  	[sflag:s0] =	ssyncset.done $0x0  }
0xd5: {  	[sflag:s0] =	ssyncadd.s32 $0xFFFFC000  }
0xd6: {  	[spmem:s3] =	stream.indirect.scatter.add.f32 [tilespmem:s29], [sflag:$0x3], $0x80, s21, s28, $0xb8;
	[tilespmem:$0x1FB80] =	vst v63  }
0xd7: {  	_ = 	snop  }
0xd8: {  	[spmem:s3] =	stream.indirect.scatter.add.f32 [tilespmem:s30], [sflag:$0x3], $0x80, s23, s28, $0xb8;
	[tilespmem:$0x1FB80] =	vst v63  }
0xd9: {  	_ = 	snop  }
0xda: {  	[spmem:s3] =	stream.indirect.scatter.add.f32 [tilespmem:s31], [sflag:$0x3], $0x80, s25, s28, $0xb8;
	[tilespmem:$0x1FB80] =	vst v63  }
0xdb: {  	_ =	swait.ge [sflag:s9], $0x4000  }
0xdc: {  	[sflag:s9] =	ssyncset.done $0x0  }
0xdd: {  	[sflag:s9] =	ssyncadd.s32 $0xFFFFC000  }
0xde: {  	_ =	swait.ge [sflag:s9], $0x4000  }
.Ltmp3:
0xdf: {  	[sflag:s9] =	ssyncset.done $0x0;
	(pc) =	sbr.rel @p1 .LBB2_5-.Ltmp3, $4  }
0xe0: {  	[sflag:s9] =	ssyncadd.s32 $0xFFFFC000  }
0xe1: {  	_ =	swait.ge [sflag:s9], $0x4000  }
0xe2: {  	[sflag:s9] =	ssyncset.done $0x0  }
0xe3: {  	[sflag:s9] =	ssyncadd.s32 $0xFFFFC000  }
0xe4: {  	s2 =	rddreg [dreg:$0x7]  }
0xe5: {  	[tilespmem:s20], [sflag:$0x4] =	stream.linear.gather [hbm4b:s2+s4], $0x80, $0x38;
	[tilespmem:$0x1FB80] =	vst v63  }
0xe6: {  	_ =	swait.ge [sflag:s10], $0x80  }
0xe7: {  	[sflag:s10] =	ssyncset.done $0x0  }
0xe8: {  	s12 =	rddreg [dreg:$0x8];
	[sflag:s10] =	ssyncadd.s32 $0xFFFFFF80  }
0xe9: {  	[tilespmem:s21], [sflag:$0x4] =	stream.linear.gather [hbm4b:s12+s4], $0x80, $0x38;
	[tilespmem:$0x1FB80] =	vst v63  }
0xea: {  	_ =	swait.ge [sflag:s10], $0x80  }
0xeb: {  	[sflag:s10] =	ssyncset.done $0x0  }
0xec: {  	[sflag:s10] =	ssyncadd.s32 $0xFFFFFF80  }
0xed: {  	[tilespmem:s29], [sflag:$0x2] =	stream.indirect.gather [hbm4b:s1+s28], $0x80, s20, s28, $0xb8;
	[tilespmem:$0x1FB80] =	vst v63  }
0xee: {  	_ =	swait.ge [sflag:s0], $0x4000  }
0xef: {  	[sflag:s0] =	ssyncset.done $0x0  }
0xf0: {  	[sflag:s0] =	ssyncadd.s32 $0xFFFFC000  }
0xf1: {  	[spmem:s3] =	stream.indirect.scatter.add.f32 [tilespmem:s29], [sflag:$0x4], $0x80, s21, s28, $0xb8;
	[tilespmem:$0x1FB80] =	vst v63  }
.Ltmp4:
0xf2: {  	_ =	swait.ge [sflag:s10], $0x4000;
	(pc) =	sbr.rel .LBB2_6-.Ltmp4, $3  }
0xf3: {  	[sflag:s10] =	ssyncset.done $0x0  }
0xf4: {  	[sflag:s10] =	ssyncadd.s32 $0xFFFFC000  }
0xf5: {  	[bflag:$0x0] =	sbarrier.arrive $0xFFFF;
	_ =	sdelay $0x1  }
.LBB2_5:
.Ltmp5:
0xf6: {  	(pc) =	sbr.rel @p0 .LBB2_7-.Ltmp5, $2  }
0xf7: {  	_ =	sdelay $0x1  }
0xf8: {  	[bflag:$0x0] =	sbarrier.arrive $0xFFFF;
	_ =	sdelay $0x1  }
.LBB2_6:
0xf9: {  	s2 =	stileid.u32  }
0xfa: {  	s6 =	sshrl.u32 s5, $0x3;
	s2 =	sshll.u32 s2, $0x6  }
.Ltmp6:
0xfb: {  	s8 =	rddreg [dreg:$0x9];
	s2 =	sor.u32 $0x1C04, s2;
	(pc) =	sbr.rel .LBB2_8-.Ltmp6, $4  }
0xfc: {  	[hbm:s8], [sflag:s2] =	dma.local [spmem:s6], $0x2700  }
0xfd: {  	_ =	swait.ge [sflag:s10], $0x2700  }
0xfe: {  	[sflag:s10] =	ssyncset.done $0x0  }
0xff: {  	[sflag:s10] =	ssyncadd.s32 $0xFFFFD900  }
.LBB2_9:
0x100: {  	_ =	sfence.sel $0x180000  }
0x101: {  	[bflag:$0x0] =	sbarrier.arrive $0xFFFF  }
0x102: {  	_ =	strace $0x9000004A  }
0x103: {  	s0 =	stileid.u32;
	[bflag:$0x2] =	sbarrier.arrive $0xFFFF  }
0x104: {  	p0 =	sne.s32 s0, $0x0;
	s0 =	rddreg [dreg:$0x3]  }
0x105: {  	s0 =	sadd.s32 @!p0 $0x100000, s0  }
0x106: {  	[sflag:s0] =	ssyncadd.tile.s32 @!p0 $0x1;
	_ =	shalt  }
.Lfunc_end2:
_tile_overlayer_lowered:
.L_overlay_start_2:
0x107: {  	(tag) =	ssettag $0x2  }
0x108: {  	s0 =	rddreg [dreg:$0x0];
	s2 =	stileid.u32  }
0x109: {  	s1 =	rddreg [dreg:$0x1];
	p0 =	sne.s32 s2, $0x0  }
0x10a: {  	s3 =	rddreg [dreg:$0x2];
	[bflag:$0x3] =	sbarrier.arrive $0xFFFF;
	s2 =	simm.s32 @!p0 $0x1C04  }
0x10b: {  	[timem:s3], [sflag:s2] =	dma.local @!p0 [hbm:s0], s1  }
0x10c: {  	s0 =	simm.s32 @!p0 $0x4  }
0x10d: {  	_ =	swait.ge @!p0 [sflag:s0], s1  }
0x10e: {  	s1 =	ssub.s32 @!p0 $0x0, s1;
	[sflag:s0] =	ssyncset.done @!p0 $0x0  }
0x10f: {  	[sflag:s0] =	ssyncadd.s32 @!p0 s1  }
0x110: {  	[bflag:$0x3] =	sbarrier.arrive $0xFFFF  }
0x111: {  	_ =	shalt  }

// kernel: kernel.14.cloned.1.call-start
scs
__scs_entry_jumppad:
0x0: {  	(pc) =	sbr.rel $0x88, $3  }
0x1: {  	(tag) =	ssettag $0x0;
	lr =	simm.s32 $0x1  }
0x2: {  	[smem:$0x3F9B] =	sst lr;
	_ =	strace $0xD0000000  }
0x3: {  	_ = 	snop  }
0x4: {  	_ = 	snop  }
0x5: {  	_ = 	snop  }
0x6: {  	_ = 	snop  }
0x7: {  	_ = 	snop  }
__scs_overlays_trampoline_lowered:
0x8: {  	[smem:$0x3FAA] =	sst s0  }
0x9: {  	[smem:$0x3FAB] =	sst s1  }
0xa: {  	[smem:$0x3FAC] =	sst s2  }
0xb: {  	[smem:$0x3FAD] =	sst s3  }
0xc: {  	[smem:$0x3FAE] =	sst s4  }
0xd: {  	[smem:$0x3FAF] =	sst s5  }
0xe: {  	[smem:$0x3FB0] =	sst s6  }
0xf: {  	[smem:$0x3FB1] =	sst s7  }
0x10: {  	[smem:$0x3FB2] =	sst s8  }
0x11: {  	[smem:$0x3FB3] =	sst s9;
	s0 =	simm.s32 @!p0 $0x0  }
0x12: {  	s1 =	sld [smem:$0x3F99];
	s0 =	simm.s32 @p0 $0x1  }
0x13: {  	[smem:$0x3FB4] =	sst s0;
	s0 =	simm.s32 @!p1 $0x0  }
0x14: {  	s2 =	sld [smem:$0x3F98];
	s0 =	simm.s32 @p1 $0x1  }
0x15: {  	[smem:$0x3FB5] =	sst s0;
	s0 =	simm.s32 @!p2 $0x0  }
0x16: {  	s3 =	sld [smem:$0x3FDB];
	s0 =	simm.s32 @p2 $0x1  }
0x17: {  	s4 =	simm.s32 $0x1BF5;
	[smem:$0x3FB7] =	sst s0  }
0x18: {  	s0 =	sld [smem:$0x3F9A];
	_ =	swait.ge [sflag:s4], $0x0  }
0x19: {  	s7 =	sld [smem:$0x3F9B]  }
0x1a: {  	s8 =	sadd.s32 $0xFFFFE003, lr  }
0x1b: {  	s9 =	sadd.s32 $0xFFFFFEF7, lr;
	s5 =	simm.s32 $0xFFFFFFFF;
	p2 =	slt.u32 s8, $0xFFFFF086  }
0x1c: {  	p1 =	slt.u32 s9, $0xF7A;
	s5 =	simm.s32 @!p2 $0x0  }
0x1d: {  	s5 =	simm.s32 @p1 $0x1;
	p0 =	seq.s32 s7, s2  }
0x1e: {  	s7 =	smul.u32 @!p0 $0xF7A, s2;
	p2 =	seq.s32 @!p0 s5, $0x0  }
0x1f: {  	s9 =	smul.u32 $0xF7A, s1;
	s8 =	simm.s32 @!p0 $0x1BF5;
	p2 =	por !p2, p0  }
0x20: {  	[sflag:s8] =	ssyncset.s32 @!p0 $0xFFFFF086;
	s6 =	sadd.s32 @!p0 s3, s7;
	s7 =	simm.s32 @!p0 $0x108  }
0x21: {  	s3 =	sadd.s32 s3, s9;
	s6 =	sadd.s32 @!p0 $0x88, s6;
	s7 =	simm.s32 @p2 $0x1082  }
0x22: {  	[simem:s7], [sflag:s8] =	dma.local @!p0 [hbm:s6], $0xF7A  }
0x23: {  	s9 =	sor.u32 $0xD0000000, s2;
	s6 =	simm.s32 $0x108;
	_ =	swait.ge @!p0 [sflag:s8], $0x0  }
0x24: {  	s3 =	sadd.s32 $0x88, s3;
	s6 =	simm.s32 @!p1 $0x1082;
	[sflag:s4] =	ssyncset.s32 $0xFFFFF086  }
0x25: {  	[simem:s6], [sflag:s4] =	dma.local [hbm:s3], $0xF7A  }
0x26: {  	[smem:$0x3F9B] =	sst s1;
	(tag) =	ssettag s2;
	_ =	strace s9  }
0x27: {  	s1 =	sld [smem:$0x3FAB]  }
0x28: {  	s2 =	sld [smem:$0x3FAC]  }
0x29: {  	s4 =	sld [smem:$0x3FAE]  }
0x2a: {  	p0 =	seq.s32 s5, $0x0;
	s5 =	sld [smem:$0x3FAF]  }
0x2b: {  	s6 =	sld [smem:$0x3FB0]  }
0x2c: {  	s7 =	sld [smem:$0x3FB1]  }
0x2d: {  	s3 =	simm.s32 $0x108;
	s8 =	sld [smem:$0x3FB2]  }
0x2e: {  	s3 =	simm.s32 @!p0 $0x1082;
	s9 =	sld [smem:$0x3FB3]  }
0x2f: {  	lr =	sadd.s32 s0, s3;
	s0 =	sld [smem:$0x3FAA]  }
0x30: {  	s3 =	sld [smem:$0x3FAD]  }
0x31: {  	[smem:$0x3FB6] =	sst s10  }
0x32: {  	s10 =	sld [smem:$0x3FB4];
	_ =	sdelay $0x3  }
0x33: {  	p0 =	seq.s32 s10, $0x1;
	s10 =	sld [smem:$0x3FB6];
	_ =	sdelay $0x3  }
0x34: {  	[smem:$0x3FB6] =	sst s10  }
0x35: {  	s10 =	sld [smem:$0x3FB5];
	_ =	sdelay $0x3  }
0x36: {  	p1 =	seq.s32 s10, $0x1;
	s10 =	sld [smem:$0x3FB6];
	_ =	sdelay $0x3  }
0x37: {  	[smem:$0x3FB6] =	sst s10  }
0x38: {  	s10 =	sld [smem:$0x3FB7]  }
0x39: {  	_ = 	snop;
	(pc) =	sbr.ind lr, $3  }
0x3a: {  	_ = 	snop  }
0x3b: {  	_ = 	snop  }
0x3c: {  	p2 =	seq.s32 s10, $0x1;
	s10 =	sld [smem:$0x3FB6]  }
0x3d: {  	_ =	shalt  }
0x3e: {  	_ =	shalt  }
0x3f: {  	_ =	shalt  }
0x40: {  	_ =	shalt  }
0x41: {  	_ =	shalt  }
0x42: {  	_ =	shalt  }
0x43: {  	_ =	shalt  }
0x44: {  	_ =	shalt  }
0x45: {  	_ =	shalt  }
0x46: {  	_ =	shalt  }
0x47: {  	_ =	shalt  }
0x48: {  	_ =	shalt  }
0x49: {  	_ =	shalt  }
0x4a: {  	_ =	shalt  }
0x4b: {  	_ =	shalt  }
0x4c: {  	_ =	shalt  }
0x4d: {  	_ =	shalt  }
0x4e: {  	_ =	shalt  }
0x4f: {  	_ =	shalt  }
0x50: {  	_ =	shalt  }
0x51: {  	_ =	shalt  }
0x52: {  	_ =	shalt  }
0x53: {  	_ =	shalt  }
0x54: {  	_ =	shalt  }
0x55: {  	_ =	shalt  }
0x56: {  	_ =	shalt  }
0x57: {  	_ =	shalt  }
0x58: {  	_ =	shalt  }
0x59: {  	_ =	shalt  }
0x5a: {  	_ =	shalt  }
0x5b: {  	_ =	shalt  }
0x5c: {  	_ =	shalt  }
0x5d: {  	_ =	shalt  }
0x5e: {  	_ =	shalt  }
0x5f: {  	_ =	shalt  }
0x60: {  	_ =	shalt  }
0x61: {  	_ =	shalt  }
0x62: {  	_ =	shalt  }
0x63: {  	_ =	shalt  }
0x64: {  	_ =	shalt  }
0x65: {  	_ =	shalt  }
0x66: {  	_ =	shalt  }
0x67: {  	_ =	shalt  }
0x68: {  	_ =	shalt  }
0x69: {  	_ =	shalt  }
0x6a: {  	_ =	shalt  }
0x6b: {  	_ =	shalt  }
0x6c: {  	_ =	shalt  }
0x6d: {  	_ =	shalt  }
0x6e: {  	_ =	shalt  }
0x6f: {  	_ =	shalt  }
0x70: {  	_ =	shalt  }
0x71: {  	_ =	shalt  }
0x72: {  	_ =	shalt  }
0x73: {  	_ =	shalt  }
0x74: {  	_ =	shalt  }
0x75: {  	_ =	shalt  }
0x76: {  	_ =	shalt  }
0x77: {  	_ =	shalt  }
0x78: {  	_ =	shalt  }
0x79: {  	_ =	shalt  }
0x7a: {  	_ =	shalt  }
0x7b: {  	_ =	shalt  }
0x7c: {  	_ =	shalt  }
0x7d: {  	_ =	shalt  }
0x7e: {  	_ =	shalt  }
0x7f: {  	_ =	shalt  }
0x80: {  	_ =	shalt  }
0x81: {  	_ =	shalt  }
0x82: {  	_ =	shalt  }
0x83: {  	_ =	shalt  }
0x84: {  	_ =	shalt  }
0x85: {  	_ =	shalt  }
0x86: {  	_ =	shalt  }
0x87: {  	_ =	shalt  }
.Lfunc_end0:
.L_simem_size_0:
called_computation.2_lowered:
.L_overlay_start_0:
0x88: {  	s2 =	sld [smem:$0x3FD9]  }
0x89: {  	s3 =	sld [smem:$0x3FFE];
	_ =	sdelay $0x1  }
0x8a: {  	s1 =	srdreg.scid  }
0x8b: {  	s0 =	sand.u32 $0x1, s1  }
0x8c: {  	s17 =	sshll.u32 s0, $0xA;
	s2 =	sadd.s32 s3, s2  }
0x8d: {  	s2 =	sadd.s32 s2, s17  }
0x8e: {  	[smem:$0x3FC2] =	sst s2  }
0x8f: {  	_ = 	snop  }
0x90: {  	s2 =	sld [smem:$0x3FD0];
	(tm) =	ssettm $0x1  }
0x91: {  	s18 =	sld [smem:$0x3FFB];
	_ =	sdelay $0x3  }
0x92: {  	_ =	strace s18  }
0x93: {  	s3 =	sld [smem:$0x3FFC];
	_ =	sdelay $0x3  }
0x94: {  	_ =	strace s3  }
0x95: {  	s3 =	sld [smem:$0x3FFD];
	_ =	sdelay $0x3  }
0x96: {  	_ =	strace s3  }
0x97: {  	_ =	strace $0x8FFFFFFF  }
0x98: {  	s19 =	sld [smem:$0x3FDB];
	_ =	sdelay $0x1  }
0x99: {  	s4 =	simm.s32 $_scs_section_size  }
0x9a: {  	s5 =	simm.s32 $_size__tile_overlayer_lowered;
	s6 =	simm.s32 $_tile_overlayer_lowered  }
0x9b: {  	s22 =	simm.s32 $0x1BFF;
	s21 =	sshll.u32 s6, $0x1;
	s3 =	sadd.s32 s4, s19  }
0x9c: {  	s7 =	simm.s32 $0x0;
	s20 =	sshll.u32 s5, $0x1;
	s5 =	sadd.s32 s21, s3  }
0x9d: {  	[timem:s7], [sflag:s22] =	dma.local [hbm:s5], s20  }
0x9e: {  	_ =	swait.ge [sflag:s22], s20  }
0x9f: {  	s4 =	ssub.s32 $0x0, s20;
	[sflag:s22] =	ssyncset.done $0x0  }
0xa0: {  	[sflag:s22] =	ssyncadd.s32 s4;
	_ =	sdelay $0x1  }
0xa1: {  	s23 =	simm.s32 $0x1B8B  }
0xa2: {  	_ =	swait.ge [sflag:s23], $0x1  }
0xa3: {  	[sflag:s23] =	ssyncset.done $0x0  }
0xa4: {  	s25 =	simm.s32 $0x1B8E;
	s24 =	sld [smem:$0x3FFE];
	[sflag:s23] =	ssyncadd.s32 $0xFFFFFFFF  }
0xa5: {  	s26 =	simm.s32 $execute0_lowered;
	[smem:$0x3FD2] =	sst s25  }
0xa6: {  	s5 =	sshll.u32 s26, $0x1;
	_ =	strace $0x8000004C;
	[dreg:$0x1] =	wrdreg $0xFFFFFFFF  }
0xa7: {  	s28 =	simm.s32 $_size_execute0_lowered;
	s3 =	sadd.s32 s3, s5;
	[dreg:$0x0] =	wrdreg $0x0  }
0xa8: {  	s5 =	sshll.u32 s28, $0x1;
	[dreg:$0x2] =	wrdreg s3  }
0xa9: {  	[dreg:$0x3] =	wrdreg s5  }
0xaa: {  	[dreg:$0x4] =	wrdreg $0xC0  }
0xab: {  	_ =	task [dreg:s7], $0x5FFFF  }
0xac: {  	[dreg:$0x1] =	wrdreg $0xFFFFFFFF  }
0xad: {  	[dreg:$0x0] =	wrdreg $0x60  }
0xae: {  	[dreg:$0x2] =	wrdreg s2  }
0xaf: {  	[dreg:$0x3] =	wrdreg s24  }
0xb0: {  	[dreg:$0x4] =	wrdreg $0x0  }
0xb1: {  	[dreg:$0x5] =	wrdreg $0x9  }
0xb2: {  	_ =	task.clear_ibuf [dreg:s7], $0x6FFFF;
	_ =	strace $0x9000004C  }
0xb3: {  	s29 =	simm.s32 $0x9;
	_ =	strace $0x8000004E  }
0xb4: {  	_ =	swait.ge [sflag:s29], $0x1  }
0xb5: {  	[sflag:s29] =	ssyncadd.s32 $0xFFFFFFFF  }
0xb6: {  	_ =	strace $0x9000004E  }
0xb7: {  	_ =	sfence  }
0xb8: {  	s30 =	sld [smem:$0x0];
	_ =	sdelay $0x2  }
0xb9: {  	s31 =	sshll.u32 s1, $0xD;
	s1 =	sshrl.u32 s1, $0x2  }
0xba: {  	s3 =	sand.u32 $0x4000, s31;
	s1 =	sadd.s32 s1, s30  }
0xbb: {  	s0 =	sor.u32 s3, s0;
	s1 =	sshll.u32 s1, $0x11  }
0xbc: {  	s0 =	sor.u32 s1, s0  }
0xbd: {  	s0 =	sadd.s32 $0x8F2B, s0  }
0xbe: {  	[sflag:s0] =	ssyncadd.remote.s32 $0x1  }
0xbf: {  	_ =	sfence.sel $0xFFFF  }
0xc0: {  	[dreg:$0x0] =	wrdreg $0xFFFFFFFF;
	(pc) =	sbr.abs _section_cstart, $3  }
0xc1: {  	[dreg:$0x1] =	wrdreg $0xFFFFFFFF  }
0xc2: {  	_ =	task.clear_ibuf [dreg:s7], $0x2FFFF;
	_ =	strace $0x9FFFFFFF  }
0xc3: {  	(tm) =	ssettm $0x7FFFFFFF  }
tec
execute0_lowered:
.L_overlay_start_1:
0x0: {  	(tag) =	ssettag $0x1  }
0x1: {  	s1 =	rddreg [dreg:$0x0]  }
0x2: {  	s0 =	rddreg [dreg:$0x1]  }
0x3: {  	s3 =	rddreg [dreg:$0x2];
	s4 =	simm.s32 $0x0;
	s20 =	stileid.u32  }
0x4: {  	s5 =	srdreg.scid;
	s28 =	simm.s32 $0x80;
	s29 =	simm.s32 $0x13B80  }
0x5: {  	s30 =	simm.s32 $0x17B80;
	s31 =	simm.s32 $0x1BB80;
	s2 =	smul.u32 $0x2700, s20  }
0x6: {  	[smem:$0x7FF] =	sst s4;
	s9 =	sand.u32 $0x1, s5;
	s26 =	smul.u32 $0x4E000, s20  }
0x7: {  	s10 =	sadd.s32 $0x2000, s0;
	s11 =	sadd.s32 $0xBE00, s0;
	s12 =	sadd.s32 $0x3CE00, s0  }
0x8: {  	s19 =	sshll.u32 s20, $0x4;
	p0 =	seq.s32 s20, $0xF;
	s15 =	smul.u32 $0x138800, s9  }
0x9: {  	_ =	strace $0x8000004D;
	s6 =	ssub.s32 $0x2, s9;
	s16 =	smul.u32 $0x27100, s9  }
0xa: {  	s14 =	sshll.u32 s9, $0x4;
	s9 =	smul.u32 $0x27000, s9;
	s7 =	sadd.s32 s2, s0  }
0xb: {  	s8 =	sshrl.u32 s6, $0x1;
	s5 =	sshrl.u32 s26, $0x2;
	s0 =	sadd.s32 $0x3A500, s0  }
0xc: {  	s13 =	ssub.s32 s6, s8;
	s5 =	sadd.s32 s5, s3;
	s7 =	sadd.s32 $0x15C00, s7  }
0xd: {  	[dreg:$0x5] =	wrdreg s0;
	s8 =	sor.u32 s20, s14;
	s18 =	sshrl.u32 s15, $0x3  }
0xe: {  	s15 =	sor.u32 $0x9C00, s19;
	s23 =	sadd.s32 s2, s16;
	s2 =	sadd.s32 s2, s9  }
0xf: {  	s20 =	simm.s32 $0x13880;
	s0 =	simm.s32 $0x2;
	[dreg:$0x4] =	wrdreg s7  }
0x10: {  	s7 =	sadd.s32 $0x124800, s3;
	s14 =	sadd.s32 s12, s18;
	s22 =	sadd.s32 s10, s15  }
0x11: {  	s24 =	sadd.s32 s11, s15;
	s25 =	sadd.s32 s12, s23;
	s13 =	smax.u32 s13, $0x1  }
0x12: {  	s9 =	sshrl.u32 s2, $0x3;
	s26 =	sadd.s32 $0x100, s2;
	[dreg:$0x7] =	wrdreg s22  }
0x13: {  	s2 =	sor.u32 $0x80, s2;
	s23 =	simm.s32 $0x13A80;
	[dreg:$0x8] =	wrdreg s24  }
0x14: {  	p1 =	sgt.u32 s8, $0x3;
	s21 =	sadd.s32 $0x24900, s14;
	[dreg:$0x9] =	wrdreg s25  }
0x15: {  	s14 =	sadd.s32 s9, s11;
	s12 =	sshrl.u32 s26, $0x3;
	s15 =	sadd.s32 s9, s10  }
.Ltmp0:
0x16: {  	s2 =	sshrl.u32 s2, $0x3;
	s22 =	simm.s32 $0x13900;
	(pc) =	sbr.rel .LBB2_1-.Ltmp0, $4  }
0x17: {  	s24 =	simm.s32 $0x13980;
	s25 =	simm.s32 $0x13B00;
	s26 =	simm.s32 $0x1  }
0x18: {  	s9 =	simm.s32 $0x3;
	[dreg:$0x6] =	wrdreg s21;
	s16 =	sadd.s32 s12, s11  }
0x19: {  	s17 =	sadd.s32 s12, s10;
	s18 =	sadd.s32 s2, s11;
	s19 =	sadd.s32 s2, s10  }
0x1a: {  	s21 =	simm.s32 $0x13A00;
	s10 =	simm.s32 $0x4;
	s11 =	simm.s32 $0x0  }
.LBB2_7:
0x1b: {  	s2 =	sshrl.u32 s7, $0x3;
	s6 =	rddreg [dreg:$0x6];
	s8 =	simm.s32 $0x1FC4  }
0x1c: {  	[hbm:s6], [sflag:s8] =	dma.local [spmem:s2], $0x2800  }
0x1d: {  	_ =	swait.ge [sflag:s10], $0x2800  }
0x1e: {  	[sflag:s10] =	ssyncset.done $0x0  }
0x1f: {  	[sflag:s10] =	ssyncadd.s32 $0xFFFFD800  }
.LBB2_8:
0x20: {  	s11 =	sadd.s32 $0x1, s11  }
0x21: {  	p2 =	sne.s32 s11, s13  }
.Ltmp1:
0x22: {  	_ = 	snop;
	(pc) =	sbr.rel @!p2 .LBB2_9-.Ltmp1, $1  }
0x23: {  	_ =	sdelay $0x3  }
.LBB2_1:
0x24: {  	s2 =	sshrl.u32 @p0 s7, $0x3;
	s12 =	simm.s32 @p0 $0x1FC4;
	s6 =	rddreg [dreg:$0x5]  }
0x25: {  	[spmem:s2], [sflag:s12] =	dma.local @p0 [hbm:s6], $0x2800  }
0x26: {  	s2 =	simm.s32 @p0 $0x4  }
0x27: {  	s6 =	stileid.u32;
	_ =	swait.ge @p0 [sflag:s2], $0x2800  }
0x28: {  	s12 =	sshll.u32 @!p0 s6, $0x6;
	[sflag:s2] =	ssyncset.done @p0 $0x0;
	s6 =	rddreg [dreg:$0x4]  }
0x29: {  	[sflag:s2] =	ssyncadd.s32 @p0 $0xFFFFD800;
	s2 =	sor.u32 @!p0 $0x1C04, s12;
	s12 =	sshrl.u32 @!p0 s5, $0x3  }
0x2a: {  	[spmem:s12], [sflag:s2] =	dma.local @!p0 [hbm:s6], $0x2700  }
0x2b: {  	s2 =	simm.s32 @!p0 $0x4  }
0x2c: {  	_ =	swait.ge @!p0 [sflag:s2], $0x2700  }
0x2d: {  	[sflag:s2] =	ssyncset.done @!p0 $0x0  }
0x2e: {  	p2 =	por $0x1, $0x1;
	[sflag:s2] =	ssyncadd.s32 @!p0 $0xFFFFD900  }
0x2f: {  	s2 =	simm.s32 @!p2 $0x3;
	[bflag:$0x0] =	sbarrier.arrive $0xFFFF  }
0x30: {  	_ =	swait.ge @!p2 [sflag:s2], $0x4000  }
0x31: {  	[sflag:s2] =	ssyncset.done @!p2 $0x0  }
0x32: {  	[sflag:s2] =	ssyncadd.s32 @!p2 $0xFFFFC000  }
0x33: {  	_ =	swait.ge @!p2 [sflag:s2], $0x4000  }
0x34: {  	[sflag:s2] =	ssyncset.done @!p2 $0x0  }
0x35: {  	[sflag:s2] =	ssyncadd.s32 @!p2 $0xFFFFC000  }
0x36: {  	_ =	swait.ge @!p2 [sflag:s2], $0x4000  }
0x37: {  	[sflag:s2] =	ssyncset.done @!p2 $0x0  }
0x38: {  	s6 =	sadd.s32 $0x0, s15;
	[sflag:s2] =	ssyncadd.s32 @!p2 $0xFFFFC000  }
0x39: {  	[tilespmem:s20], [sflag:$0x1] =	stream.linear.gather [hbm4b:s6+s4], $0x80, $0x38;
	[tilespmem:$0x1FB80] =	vst v63  }
0x3a: {  	s8 =	sadd.s32 $0x0, s14  }
0x3b: {  	[tilespmem:s21], [sflag:$0x1] =	stream.linear.gather [hbm4b:s8+s4], $0x80, $0x38;
	[tilespmem:$0x1FB80] =	vst v63  }
0x3c: {  	s12 =	sadd.s32 $0x0, s19  }
0x3d: {  	[tilespmem:s22], [sflag:$0x1] =	stream.linear.gather [hbm4b:s12+s4], $0x80, $0x38;
	[tilespmem:$0x1FB80] =	vst v63  }
0x3e: {  	s6 =	sadd.s32 $0x0, s18  }
0x3f: {  	[tilespmem:s23], [sflag:$0x1] =	stream.linear.gather [hbm4b:s6+s4], $0x80, $0x38;
	[tilespmem:$0x1FB80] =	vst v63  }
0x40: {  	s8 =	sadd.s32 $0x0, s17  }
0x41: {  	[tilespmem:s24], [sflag:$0x1] =	stream.linear.gather [hbm4b:s8+s4], $0x80, $0x38;
	[tilespmem:$0x1FB80] =	vst v63  }
0x42: {  	s12 =	sadd.s32 $0x0, s16  }
0x43: {  	[tilespmem:s25], [sflag:$0x1] =	stream.linear.gather [hbm4b:s12+s4], $0x80, $0x38;
	[tilespmem:$0x1FB80] =	vst v63  }
0x44: {  	_ =	swait.ge [sflag:s26], $0x80  }
0x45: {  	[sflag:s26] =	ssyncset.done $0x0  }
0x46: {  	[sflag:s26] =	ssyncadd.s32 $0xFFFFFF80  }
0x47: {  	_ =	swait.ge [sflag:s26], $0x80  }
0x48: {  	[sflag:s26] =	ssyncset.done $0x0  }
0x49: {  	[sflag:s26] =	ssyncadd.s32 $0xFFFFFF80  }
0x4a: {  	_ =	swait.ge [sflag:s26], $0x80  }
0x4b: {  	[sflag:s26] =	ssyncset.done $0x0  }
0x4c: {  	[sflag:s26] =	ssyncadd.s32 $0xFFFFFF80  }
0x4d: {  	_ =	swait.ge [sflag:s26], $0x80  }
0x4e: {  	[sflag:s26] =	ssyncset.done $0x0  }
0x4f: {  	[sflag:s26] =	ssyncadd.s32 $0xFFFFFF80  }
0x50: {  	_ =	swait.ge [sflag:s26], $0x80  }
0x51: {  	[sflag:s26] =	ssyncset.done $0x0  }
0x52: {  	[sflag:s26] =	ssyncadd.s32 $0xFFFFFF80  }
0x53: {  	_ =	swait.ge [sflag:s26], $0x80  }
0x54: {  	[sflag:s26] =	ssyncset.done $0x0  }
0x55: {  	[sflag:s26] =	ssyncadd.s32 $0xFFFFFF80  }
0x56: {  	[tilespmem:s29], [sflag:$0x2] =	stream.indirect.gather [hbm4b:s1+s28], $0x80, s20, s28, $0xb8;
	[tilespmem:$0x1FB80] =	vst v63  }
0x57: {  	_ = 	snop  }
0x58: {  	[tilespmem:s30], [sflag:$0x2] =	stream.indirect.gather [hbm4b:s1+s28], $0x80, s22, s28, $0xb8;
	[tilespmem:$0x1FB80] =	vst v63  }
0x59: {  	_ = 	snop  }
0x5a: {  	[tilespmem:s31], [sflag:$0x2] =	stream.indirect.gather [hbm4b:s1+s28], $0x80, s24, s28, $0xb8;
	[tilespmem:$0x1FB80] =	vst v63  }
0x5b: {  	_ =	swait.ge [sflag:s0], $0x4000  }
0x5c: {  	[sflag:s0] =	ssyncset.done $0x0  }
0x5d: {  	[sflag:s0] =	ssyncadd.s32 $0xFFFFC000  }
0x5e: {  	_ =	swait.ge [sflag:s0], $0x4000  }
0x5f: {  	[sflag:s0] =	ssyncset.done $0x0  }
0x60: {  	[sflag:s0] =	ssyncadd.s32 $0xFFFFC000  }
0x61: {  	_ =	swait.ge [sflag:s0], $0x4000  }
0x62: {  	[sflag:s0] =	ssyncset.done $0x0  }
0x63: {  	[sflag:s0] =	ssyncadd.s32 $0xFFFFC000  }
0x64: {  	[spmem:s3] =	stream.indirect.scatter.add.f32 [tilespmem:s29], [sflag:$0x3], $0x80, s21, s28, $0xb8;
	[tilespmem:$0x1FB80] =	vst v63  }
0x65: {  	p3 =	por $0x0, $0x0;
	s2 =	simm.s32 $0x60;
	s12 =	simm.s32 $0x30  }
0x66: {  	[spmem:s3] =	stream.indirect.scatter.add.f32 [tilespmem:s30], [sflag:$0x3], $0x80, s23, s28, $0xb8;
	[tilespmem:$0x1FB80] =	vst v63  }
.LBB2_2:
0x67: {  	s6 =	simm.s32 @!p3 $0x3;
	s8 =	smov.u32 s2;
	s2 =	sadd.s32 $0x30, s2  }
0x68: {  	[spmem:s3] =	stream.indirect.scatter.add.f32 [tilespmem:s31], [sflag:$0x3], $0x80, s25, s28, $0xb8;
	[tilespmem:$0x1FB80] =	vst v63  }
0x69: {  	p2 =	sne.s32 s2, $0x4E0;
	_ =	swait.ge @!p3 [sflag:s6], $0x4000  }
0x6a: {  	[sflag:s6] =	ssyncset.done @!p3 $0x0  }
0x6b: {  	[sflag:s6] =	ssyncadd.s32 @!p3 $0xFFFFC000  }
0x6c: {  	_ =	swait.ge @!p3 [sflag:s6], $0x4000  }
0x6d: {  	[sflag:s6] =	ssyncset.done @!p3 $0x0  }
0x6e: {  	[sflag:s6] =	ssyncadd.s32 @!p3 $0xFFFFC000  }
0x6f: {  	_ =	swait.ge @!p3 [sflag:s6], $0x4000  }
0x70: {  	[sflag:s6] =	ssyncset.done @!p3 $0x0  }
0x71: {  	[sflag:s6] =	ssyncadd.s32 @!p3 $0xFFFFC000;
	s6 =	sadd.s32 s12, s15  }
0x72: {  	[tilespmem:s20], [sflag:$0x1] =	stream.linear.gather [hbm4b:s6+s4], $0x80, $0x38;
	[tilespmem:$0x1FB80] =	vst v63  }
0x73: {  	s6 =	sadd.s32 s12, s14  }
0x74: {  	[tilespmem:s21], [sflag:$0x1] =	stream.linear.gather [hbm4b:s6+s4], $0x80, $0x38;
	[tilespmem:$0x1FB80] =	vst v63  }
0x75: {  	s6 =	sadd.s32 s12, s19  }
0x76: {  	[tilespmem:s22], [sflag:$0x1] =	stream.linear.gather [hbm4b:s6+s4], $0x80, $0x38;
	[tilespmem:$0x1FB80] =	vst v63  }
0x77: {  	s6 =	sadd.s32 s12, s18  }
0x78: {  	[tilespmem:s23], [sflag:$0x1] =	stream.linear.gather [hbm4b:s6+s4], $0x80, $0x38;
	[tilespmem:$0x1FB80] =	vst v63  }
0x79: {  	s6 =	sadd.s32 s12, s17  }
0x7a: {  	[tilespmem:s24], [sflag:$0x1] =	stream.linear.gather [hbm4b:s6+s4], $0x80, $0x38;
	[tilespmem:$0x1FB80] =	vst v63  }
0x7b: {  	s6 =	sadd.s32 s12, s16;
	s12 =	smov.u32 s8  }
0x7c: {  	[tilespmem:s25], [sflag:$0x1] =	stream.linear.gather [hbm4b:s6+s4], $0x80, $0x38;
	[tilespmem:$0x1FB80] =	vst v63  }
0x7d: {  	_ =	swait.ge [sflag:s26], $0x80  }
0x7e: {  	[sflag:s26] =	ssyncset.done $0x0  }
0x7f: {  	[sflag:s26] =	ssyncadd.s32 $0xFFFFFF80  }
0x80: {  	_ =	swait.ge [sflag:s26], $0x80  }
0x81: {  	[sflag:s26] =	ssyncset.done $0x0  }
0x82: {  	[sflag:s26] =	ssyncadd.s32 $0xFFFFFF80  }
0x83: {  	_ =	swait.ge [sflag:s26], $0x80  }
0x84: {  	[sflag:s26] =	ssyncset.done $0x0  }
0x85: {  	[sflag:s26] =	ssyncadd.s32 $0xFFFFFF80  }
0x86: {  	_ =	swait.ge [sflag:s26], $0x80  }
0x87: {  	[sflag:s26] =	ssyncset.done $0x0  }
0x88: {  	[sflag:s26] =	ssyncadd.s32 $0xFFFFFF80  }
0x89: {  	_ =	swait.ge [sflag:s26], $0x80  }
0x8a: {  	[sflag:s26] =	ssyncset.done $0x0  }
0x8b: {  	[sflag:s26] =	ssyncadd.s32 $0xFFFFFF80  }
0x8c: {  	_ =	swait.ge [sflag:s26], $0x80  }
0x8d: {  	[sflag:s26] =	ssyncset.done $0x0  }
0x8e: {  	[sflag:s26] =	ssyncadd.s32 $0xFFFFFF80  }
0x8f: {  	[tilespmem:s29], [sflag:$0x2] =	stream.indirect.gather [hbm4b:s1+s28], $0x80, s20, s28, $0xb8;
	[tilespmem:$0x1FB80] =	vst v63  }
0x90: {  	_ = 	snop  }
0x91: {  	[tilespmem:s30], [sflag:$0x2] =	stream.indirect.gather [hbm4b:s1+s28], $0x80, s22, s28, $0xb8;
	[tilespmem:$0x1FB80] =	vst v63  }
0x92: {  	_ = 	snop  }
0x93: {  	[tilespmem:s31], [sflag:$0x2] =	stream.indirect.gather [hbm4b:s1+s28], $0x80, s24, s28, $0xb8;
	[tilespmem:$0x1FB80] =	vst v63  }
0x94: {  	_ =	swait.ge [sflag:s0], $0x4000  }
0x95: {  	[sflag:s0] =	ssyncset.done $0x0  }
0x96: {  	[sflag:s0] =	ssyncadd.s32 $0xFFFFC000  }
0x97: {  	_ =	swait.ge [sflag:s0], $0x4000  }
0x98: {  	[sflag:s0] =	ssyncset.done $0x0  }
0x99: {  	[sflag:s0] =	ssyncadd.s32 $0xFFFFC000  }
0x9a: {  	_ =	swait.ge [sflag:s0], $0x4000  }
.Ltmp2:
0x9b: {  	[sflag:s0] =	ssyncset.done $0x0;
	(pc) =	sbr.rel @p2 .LBB2_2-.Ltmp2, $4  }
0x9c: {  	[sflag:s0] =	ssyncadd.s32 $0xFFFFC000  }
0x9d: {  	[spmem:s3] =	stream.indirect.scatter.add.f32 [tilespmem:s29], [sflag:$0x3], $0x80, s21, s28, $0xb8;
	[tilespmem:$0x1FB80] =	vst v63  }
0x9e: {  	p3 =	seq.s32 s12, $0x0  }
0x9f: {  	[spmem:s3] =	stream.indirect.scatter.add.f32 [tilespmem:s30], [sflag:$0x3], $0x80, s23, s28, $0xb8;
	[tilespmem:$0x1FB80] =	vst v63  }
0xa0: {  	s2 =	simm.s32 @!p3 $0x3  }
0xa1: {  	[spmem:s3] =	stream.indirect.scatter.add.f32 [tilespmem:s31], [sflag:$0x3], $0x80, s25, s28, $0xb8;
	[tilespmem:$0x1FB80] =	vst v63  }
0xa2: {  	_ =	swait.ge @!p3 [sflag:s2], $0x4000  }
0xa3: {  	[sflag:s2] =	ssyncset.done @!p3 $0x0  }
0xa4: {  	[sflag:s2] =	ssyncadd.s32 @!p3 $0xFFFFC000  }
0xa5: {  	_ =	swait.ge @!p3 [sflag:s2], $0x4000  }
0xa6: {  	[sflag:s2] =	ssyncset.done @!p3 $0x0  }
0xa7: {  	[sflag:s2] =	ssyncadd.s32 @!p3 $0xFFFFC000  }
0xa8: {  	_ =	swait.ge @!p3 [sflag:s2], $0x4000  }
0xa9: {  	[sflag:s2] =	ssyncset.done @!p3 $0x0  }
0xaa: {  	s8 =	sadd.s32 s12, s15;
	[sflag:s2] =	ssyncadd.s32 @!p3 $0xFFFFC000  }
0xab: {  	[tilespmem:s20], [sflag:$0x1] =	stream.linear.gather [hbm4b:s8+s4], $0x80, $0x38;
	[tilespmem:$0x1FB80] =	vst v63  }
0xac: {  	s6 =	sadd.s32 s12, s14  }
0xad: {  	[tilespmem:s21], [sflag:$0x1] =	stream.linear.gather [hbm4b:s6+s4], $0x80, $0x38;
	[tilespmem:$0x1FB80] =	vst v63  }
0xae: {  	s8 =	sadd.s32 s12, s19  }
0xaf: {  	[tilespmem:s22], [sflag:$0x1] =	stream.linear.gather [hbm4b:s8+s4], $0x80, $0x38;
	[tilespmem:$0x1FB80] =	vst v63  }
0xb0: {  	s6 =	sadd.s32 s12, s18  }
0xb1: {  	[tilespmem:s23], [sflag:$0x1] =	stream.linear.gather [hbm4b:s6+s4], $0x80, $0x38;
	[tilespmem:$0x1FB80] =	vst v63  }
0xb2: {  	s8 =	sadd.s32 s12, s17  }
0xb3: {  	[tilespmem:s24], [sflag:$0x1] =	stream.linear.gather [hbm4b:s8+s4], $0x80, $0x38;
	[tilespmem:$0x1FB80] =	vst v63  }
0xb4: {  	s12 =	sadd.s32 s12, s16  }
0xb5: {  	[tilespmem:s25], [sflag:$0x1] =	stream.linear.gather [hbm4b:s12+s4], $0x80, $0x38;
	[tilespmem:$0x1FB80] =	vst v63  }
0xb6: {  	_ =	swait.ge [sflag:s26], $0x80  }
0xb7: {  	[sflag:s26] =	ssyncset.done $0x0  }
0xb8: {  	[sflag:s26] =	ssyncadd.s32 $0xFFFFFF80  }
0xb9: {  	_ =	swait.ge [sflag:s26], $0x80  }
0xba: {  	[sflag:s26] =	ssyncset.done $0x0  }
0xbb: {  	[sflag:s26] =	ssyncadd.s32 $0xFFFFFF80  }
0xbc: {  	_ =	swait.ge [sflag:s26], $0x80  }
0xbd: {  	[sflag:s26] =	ssyncset.done $0x0  }
0xbe: {  	[sflag:s26] =	ssyncadd.s32 $0xFFFFFF80  }
0xbf: {  	_ =	swait.ge [sflag:s26], $0x80  }
0xc0: {  	[sflag:s26] =	ssyncset.done $0x0  }
0xc1: {  	[sflag:s26] =	ssyncadd.s32 $0xFFFFFF80  }
0xc2: {  	_ =	swait.ge [sflag:s26], $0x80  }
0xc3: {  	[sflag:s26] =	ssyncset.done $0x0  }
0xc4: {  	[sflag:s26] =	ssyncadd.s32 $0xFFFFFF80  }
0xc5: {  	_ =	swait.ge [sflag:s26], $0x80  }
0xc6: {  	[sflag:s26] =	ssyncset.done $0x0  }
0xc7: {  	[sflag:s26] =	ssyncadd.s32 $0xFFFFFF80  }
0xc8: {  	[tilespmem:s29], [sflag:$0x2] =	stream.indirect.gather [hbm4b:s1+s28], $0x80, s20, s28, $0xb8;
	[tilespmem:$0x1FB80] =	vst v63  }
0xc9: {  	_ = 	snop  }
0xca: {  	[tilespmem:s30], [sflag:$0x2] =	stream.indirect.gather [hbm4b:s1+s28], $0x80, s22, s28, $0xb8;
	[tilespmem:$0x1FB80] =	vst v63  }
0xcb: {  	_ = 	snop  }
0xcc: {  	[tilespmem:s31], [sflag:$0x2] =	stream.indirect.gather [hbm4b:s1+s28], $0x80, s24, s28, $0xb8;
	[tilespmem:$0x1FB80] =	vst v63  }
0xcd: {  	_ =	swait.ge [sflag:s0], $0x4000  }
0xce: {  	[sflag:s0] =	ssyncset.done $0x0  }
0xcf: {  	[sflag:s0] =	ssyncadd.s32 $0xFFFFC000  }
0xd0: {  	_ =	swait.ge [sflag:s0], $0x4000  }
0xd1: {  	[sflag:s0] =	ssyncset.done $0x0  }
0xd2: {  	[sflag:s0] =	ssyncadd.s32 $0xFFFFC000  }
0xd3: {  	_ =	swait.ge [sflag:s0], $0x4000  }
0xd4: {  	[sflag:s0] =	ssyncset.done $0x0  }
0xd5: {  	[sflag:s0] =	ssyncadd.s32 $0xFFFFC000  }
0xd6: {  	[spmem:s3] =	stream.indirect.scatter.add.f32 [tilespmem:s29], [sflag:$0x3], $0x80, s21, s28, $0xb8;
	[tilespmem:$0x1FB80] =	vst v63  }
0xd7: {  	_ = 	snop  }
0xd8: {  	[spmem:s3] =	stream.indirect.scatter.add.f32 [tilespmem:s30], [sflag:$0x3], $0x80, s23, s28, $0xb8;
	[tilespmem:$0x1FB80] =	vst v63  }
0xd9: {  	_ = 	snop  }
0xda: {  	[spmem:s3] =	stream.indirect.scatter.add.f32 [tilespmem:s31], [sflag:$0x3], $0x80, s25, s28, $0xb8;
	[tilespmem:$0x1FB80] =	vst v63  }
0xdb: {  	_ =	swait.ge [sflag:s9], $0x4000  }
0xdc: {  	[sflag:s9] =	ssyncset.done $0x0  }
0xdd: {  	[sflag:s9] =	ssyncadd.s32 $0xFFFFC000  }
0xde: {  	_ =	swait.ge [sflag:s9], $0x4000  }
.Ltmp3:
0xdf: {  	[sflag:s9] =	ssyncset.done $0x0;
	(pc) =	sbr.rel @p1 .LBB2_5-.Ltmp3, $4  }
0xe0: {  	[sflag:s9] =	ssyncadd.s32 $0xFFFFC000  }
0xe1: {  	_ =	swait.ge [sflag:s9], $0x4000  }
0xe2: {  	[sflag:s9] =	ssyncset.done $0x0  }
0xe3: {  	[sflag:s9] =	ssyncadd.s32 $0xFFFFC000  }
0xe4: {  	s2 =	rddreg [dreg:$0x7]  }
0xe5: {  	[tilespmem:s20], [sflag:$0x4] =	stream.linear.gather [hbm4b:s2+s4], $0x80, $0x38;
	[tilespmem:$0x1FB80] =	vst v63  }
0xe6: {  	_ =	swait.ge [sflag:s10], $0x80  }
0xe7: {  	[sflag:s10] =	ssyncset.done $0x0  }
0xe8: {  	s12 =	rddreg [dreg:$0x8];
	[sflag:s10] =	ssyncadd.s32 $0xFFFFFF80  }
0xe9: {  	[tilespmem:s21], [sflag:$0x4] =	stream.linear.gather [hbm4b:s12+s4], $0x80, $0x38;
	[tilespmem:$0x1FB80] =	vst v63  }
0xea: {  	_ =	swait.ge [sflag:s10], $0x80  }
0xeb: {  	[sflag:s10] =	ssyncset.done $0x0  }
0xec: {  	[sflag:s10] =	ssyncadd.s32 $0xFFFFFF80  }
0xed: {  	[tilespmem:s29], [sflag:$0x2] =	stream.indirect.gather [hbm4b:s1+s28], $0x80, s20, s28, $0xb8;
	[tilespmem:$0x1FB80] =	vst v63  }
0xee: {  	_ =	swait.ge [sflag:s0], $0x4000  }
0xef: {  	[sflag:s0] =	ssyncset.done $0x0  }
0xf0: {  	[sflag:s0] =	ssyncadd.s32 $0xFFFFC000  }
0xf1: {  	[spmem:s3] =	stream.indirect.scatter.add.f32 [tilespmem:s29], [sflag:$0x4], $0x80, s21, s28, $0xb8;
	[tilespmem:$0x1FB80] =	vst v63  }
.Ltmp4:
0xf2: {  	_ =	swait.ge [sflag:s10], $0x4000;
	(pc) =	sbr.rel .LBB2_6-.Ltmp4, $3  }
0xf3: {  	[sflag:s10] =	ssyncset.done $0x0  }
0xf4: {  	[sflag:s10] =	ssyncadd.s32 $0xFFFFC000  }
0xf5: {  	[bflag:$0x0] =	sbarrier.arrive $0xFFFF;
	_ =	sdelay $0x1  }
.LBB2_5:
.Ltmp5:
0xf6: {  	(pc) =	sbr.rel @p0 .LBB2_7-.Ltmp5, $2  }
0xf7: {  	_ =	sdelay $0x1  }
0xf8: {  	[bflag:$0x0] =	sbarrier.arrive $0xFFFF;
	_ =	sdelay $0x1  }
.LBB2_6:
0xf9: {  	s2 =	stileid.u32  }
0xfa: {  	s6 =	sshrl.u32 s5, $0x3;
	s2 =	sshll.u32 s2, $0x6  }
.Ltmp6:
0xfb: {  	s8 =	rddreg [dreg:$0x9];
	s2 =	sor.u32 $0x1C04, s2;
	(pc) =	sbr.rel .LBB2_8-.Ltmp6, $4  }
0xfc: {  	[hbm:s8], [sflag:s2] =	dma.local [spmem:s6], $0x2700  }
0xfd: {  	_ =	swait.ge [sflag:s10], $0x2700  }
0xfe: {  	[sflag:s10] =	ssyncset.done $0x0  }
0xff: {  	[sflag:s10] =	ssyncadd.s32 $0xFFFFD900  }
.LBB2_9:
0x100: {  	_ =	sfence.sel $0x180000  }
0x101: {  	[bflag:$0x0] =	sbarrier.arrive $0xFFFF  }
0x102: {  	_ =	strace $0x9000004D  }
0x103: {  	s0 =	stileid.u32;
	[bflag:$0x2] =	sbarrier.arrive $0xFFFF  }
0x104: {  	p0 =	sne.s32 s0, $0x0;
	s0 =	rddreg [dreg:$0x3]  }
0x105: {  	s0 =	sadd.s32 @!p0 $0x100000, s0  }
0x106: {  	[sflag:s0] =	ssyncadd.tile.s32 @!p0 $0x1;
	_ =	shalt  }
.Lfunc_end2:
_tile_overlayer_lowered:
.L_overlay_start_2:
0x107: {  	(tag) =	ssettag $0x2  }
0x108: {  	s0 =	rddreg [dreg:$0x0];
	s2 =	stileid.u32  }
0x109: {  	s1 =	rddreg [dreg:$0x1];
	p0 =	sne.s32 s2, $0x0  }
0x10a: {  	s3 =	rddreg [dreg:$0x2];
	[bflag:$0x3] =	sbarrier.arrive $0xFFFF;
	s2 =	simm.s32 @!p0 $0x1C04  }
0x10b: {  	[timem:s3], [sflag:s2] =	dma.local @!p0 [hbm:s0], s1  }
0x10c: {  	s0 =	simm.s32 @!p0 $0x4  }
0x10d: {  	_ =	swait.ge @!p0 [sflag:s0], s1  }
0x10e: {  	s1 =	ssub.s32 @!p0 $0x0, s1;
	[sflag:s0] =	ssyncset.done @!p0 $0x0  }
0x10f: {  	[sflag:s0] =	ssyncadd.s32 @!p0 s1  }
0x110: {  	[bflag:$0x3] =	sbarrier.arrive $0xFFFF  }
0x111: {  	_ =	shalt  }

// kernel: kernel.8.cloned.1.call-start
scs
__scs_entry_jumppad:
0x0: {  	(pc) =	sbr.rel $0x88, $3  }
0x1: {  	(tag) =	ssettag $0x0;
	lr =	simm.s32 $0x1  }
0x2: {  	[smem:$0x3F9B] =	sst lr;
	_ =	strace $0xD0000000  }
0x3: {  	_ = 	snop  }
0x4: {  	_ = 	snop  }
0x5: {  	_ = 	snop  }
0x6: {  	_ = 	snop  }
0x7: {  	_ = 	snop  }
__scs_overlays_trampoline_lowered:
0x8: {  	[smem:$0x3FAA] =	sst s0  }
0x9: {  	[smem:$0x3FAB] =	sst s1  }
0xa: {  	[smem:$0x3FAC] =	sst s2  }
0xb: {  	[smem:$0x3FAD] =	sst s3  }
0xc: {  	[smem:$0x3FAE] =	sst s4  }
0xd: {  	[smem:$0x3FAF] =	sst s5  }
0xe: {  	[smem:$0x3FB0] =	sst s6  }
0xf: {  	[smem:$0x3FB1] =	sst s7  }
0x10: {  	[smem:$0x3FB2] =	sst s8  }
0x11: {  	[smem:$0x3FB3] =	sst s9;
	s0 =	simm.s32 @!p0 $0x0  }
0x12: {  	s1 =	sld [smem:$0x3F99];
	s0 =	simm.s32 @p0 $0x1  }
0x13: {  	[smem:$0x3FB4] =	sst s0;
	s0 =	simm.s32 @!p1 $0x0  }
0x14: {  	s2 =	sld [smem:$0x3F98];
	s0 =	simm.s32 @p1 $0x1  }
0x15: {  	[smem:$0x3FB5] =	sst s0;
	s0 =	simm.s32 @!p2 $0x0  }
0x16: {  	s3 =	sld [smem:$0x3FDB];
	s0 =	simm.s32 @p2 $0x1  }
0x17: {  	s4 =	simm.s32 $0x1BF5;
	[smem:$0x3FB7] =	sst s0  }
0x18: {  	s0 =	sld [smem:$0x3F9A];
	_ =	swait.ge [sflag:s4], $0x0  }
0x19: {  	s7 =	sld [smem:$0x3F9B]  }
0x1a: {  	s8 =	sadd.s32 $0xFFFFE003, lr  }
0x1b: {  	s9 =	sadd.s32 $0xFFFFFEF7, lr;
	s5 =	simm.s32 $0xFFFFFFFF;
	p2 =	slt.u32 s8, $0xFFFFF086  }
0x1c: {  	p1 =	slt.u32 s9, $0xF7A;
	s5 =	simm.s32 @!p2 $0x0  }
0x1d: {  	s5 =	simm.s32 @p1 $0x1;
	p0 =	seq.s32 s7, s2  }
0x1e: {  	s7 =	smul.u32 @!p0 $0xF7A, s2;
	p2 =	seq.s32 @!p0 s5, $0x0  }
0x1f: {  	s9 =	smul.u32 $0xF7A, s1;
	s8 =	simm.s32 @!p0 $0x1BF5;
	p2 =	por !p2, p0  }
0x20: {  	[sflag:s8] =	ssyncset.s32 @!p0 $0xFFFFF086;
	s6 =	sadd.s32 @!p0 s3, s7;
	s7 =	simm.s32 @!p0 $0x108  }
0x21: {  	s3 =	sadd.s32 s3, s9;
	s6 =	sadd.s32 @!p0 $0x88, s6;
	s7 =	simm.s32 @p2 $0x1082  }
0x22: {  	[simem:s7], [sflag:s8] =	dma.local @!p0 [hbm:s6], $0xF7A  }
0x23: {  	s9 =	sor.u32 $0xD0000000, s2;
	s6 =	simm.s32 $0x108;
	_ =	swait.ge @!p0 [sflag:s8], $0x0  }
0x24: {  	s3 =	sadd.s32 $0x88, s3;
	s6 =	simm.s32 @!p1 $0x1082;
	[sflag:s4] =	ssyncset.s32 $0xFFFFF086  }
0x25: {  	[simem:s6], [sflag:s4] =	dma.local [hbm:s3], $0xF7A  }
0x26: {  	[smem:$0x3F9B] =	sst s1;
	(tag) =	ssettag s2;
	_ =	strace s9  }
0x27: {  	s1 =	sld [smem:$0x3FAB]  }
0x28: {  	s2 =	sld [smem:$0x3FAC]  }
0x29: {  	s4 =	sld [smem:$0x3FAE]  }
0x2a: {  	p0 =	seq.s32 s5, $0x0;
	s5 =	sld [smem:$0x3FAF]  }
0x2b: {  	s6 =	sld [smem:$0x3FB0]  }
0x2c: {  	s7 =	sld [smem:$0x3FB1]  }
0x2d: {  	s3 =	simm.s32 $0x108;
	s8 =	sld [smem:$0x3FB2]  }
0x2e: {  	s3 =	simm.s32 @!p0 $0x1082;
	s9 =	sld [smem:$0x3FB3]  }
0x2f: {  	lr =	sadd.s32 s0, s3;
	s0 =	sld [smem:$0x3FAA]  }
0x30: {  	s3 =	sld [smem:$0x3FAD]  }
0x31: {  	[smem:$0x3FB6] =	sst s10  }
0x32: {  	s10 =	sld [smem:$0x3FB4];
	_ =	sdelay $0x3  }
0x33: {  	p0 =	seq.s32 s10, $0x1;
	s10 =	sld [smem:$0x3FB6];
	_ =	sdelay $0x3  }
0x34: {  	[smem:$0x3FB6] =	sst s10  }
0x35: {  	s10 =	sld [smem:$0x3FB5];
	_ =	sdelay $0x3  }
0x36: {  	p1 =	seq.s32 s10, $0x1;
	s10 =	sld [smem:$0x3FB6];
	_ =	sdelay $0x3  }
0x37: {  	[smem:$0x3FB6] =	sst s10  }
0x38: {  	s10 =	sld [smem:$0x3FB7]  }
0x39: {  	_ = 	snop;
	(pc) =	sbr.ind lr, $3  }
0x3a: {  	_ = 	snop  }
0x3b: {  	_ = 	snop  }
0x3c: {  	p2 =	seq.s32 s10, $0x1;
	s10 =	sld [smem:$0x3FB6]  }
0x3d: {  	_ =	shalt  }
0x3e: {  	_ =	shalt  }
0x3f: {  	_ =	shalt  }
0x40: {  	_ =	shalt  }
0x41: {  	_ =	shalt  }
0x42: {  	_ =	shalt  }
0x43: {  	_ =	shalt  }
0x44: {  	_ =	shalt  }
0x45: {  	_ =	shalt  }
0x46: {  	_ =	shalt  }
0x47: {  	_ =	shalt  }
0x48: {  	_ =	shalt  }
0x49: {  	_ =	shalt  }
0x4a: {  	_ =	shalt  }
0x4b: {  	_ =	shalt  }
0x4c: {  	_ =	shalt  }
0x4d: {  	_ =	shalt  }
0x4e: {  	_ =	shalt  }
0x4f: {  	_ =	shalt  }
0x50: {  	_ =	shalt  }
0x51: {  	_ =	shalt  }
0x52: {  	_ =	shalt  }
0x53: {  	_ =	shalt  }
0x54: {  	_ =	shalt  }
0x55: {  	_ =	shalt  }
0x56: {  	_ =	shalt  }
0x57: {  	_ =	shalt  }
0x58: {  	_ =	shalt  }
0x59: {  	_ =	shalt  }
0x5a: {  	_ =	shalt  }
0x5b: {  	_ =	shalt  }
0x5c: {  	_ =	shalt  }
0x5d: {  	_ =	shalt  }
0x5e: {  	_ =	shalt  }
0x5f: {  	_ =	shalt  }
0x60: {  	_ =	shalt  }
0x61: {  	_ =	shalt  }
0x62: {  	_ =	shalt  }
0x63: {  	_ =	shalt  }
0x64: {  	_ =	shalt  }
0x65: {  	_ =	shalt  }
0x66: {  	_ =	shalt  }
0x67: {  	_ =	shalt  }
0x68: {  	_ =	shalt  }
0x69: {  	_ =	shalt  }
0x6a: {  	_ =	shalt  }
0x6b: {  	_ =	shalt  }
0x6c: {  	_ =	shalt  }
0x6d: {  	_ =	shalt  }
0x6e: {  	_ =	shalt  }
0x6f: {  	_ =	shalt  }
0x70: {  	_ =	shalt  }
0x71: {  	_ =	shalt  }
0x72: {  	_ =	shalt  }
0x73: {  	_ =	shalt  }
0x74: {  	_ =	shalt  }
0x75: {  	_ =	shalt  }
0x76: {  	_ =	shalt  }
0x77: {  	_ =	shalt  }
0x78: {  	_ =	shalt  }
0x79: {  	_ =	shalt  }
0x7a: {  	_ =	shalt  }
0x7b: {  	_ =	shalt  }
0x7c: {  	_ =	shalt  }
0x7d: {  	_ =	shalt  }
0x7e: {  	_ =	shalt  }
0x7f: {  	_ =	shalt  }
0x80: {  	_ =	shalt  }
0x81: {  	_ =	shalt  }
0x82: {  	_ =	shalt  }
0x83: {  	_ =	shalt  }
0x84: {  	_ =	shalt  }
0x85: {  	_ =	shalt  }
0x86: {  	_ =	shalt  }
0x87: {  	_ =	shalt  }
.Lfunc_end0:
.L_simem_size_0:
called_computation_lowered:
.L_overlay_start_0:
0x88: {  	s2 =	sld [smem:$0x3FD9]  }
0x89: {  	s3 =	sld [smem:$0x3FFE];
	_ =	sdelay $0x1  }
0x8a: {  	s1 =	srdreg.scid  }
0x8b: {  	s0 =	sand.u32 $0x1, s1  }
0x8c: {  	s17 =	sshll.u32 s0, $0xA;
	s2 =	sadd.s32 s3, s2  }
0x8d: {  	s2 =	sadd.s32 s2, s17  }
0x8e: {  	[smem:$0x3FC2] =	sst s2  }
0x8f: {  	_ = 	snop  }
0x90: {  	s2 =	sld [smem:$0x3FD0];
	(tm) =	ssettm $0x1  }
0x91: {  	s18 =	sld [smem:$0x3FFB];
	_ =	sdelay $0x3  }
0x92: {  	_ =	strace s18  }
0x93: {  	s3 =	sld [smem:$0x3FFC];
	_ =	sdelay $0x3  }
0x94: {  	_ =	strace s3  }
0x95: {  	s3 =	sld [smem:$0x3FFD];
	_ =	sdelay $0x3  }
0x96: {  	_ =	strace s3  }
0x97: {  	_ =	strace $0x8FFFFFFF  }
0x98: {  	s19 =	sld [smem:$0x3FDB];
	_ =	sdelay $0x1  }
0x99: {  	s4 =	simm.s32 $_scs_section_size  }
0x9a: {  	s5 =	simm.s32 $_size__tile_overlayer_lowered;
	s6 =	simm.s32 $_tile_overlayer_lowered  }
0x9b: {  	s22 =	simm.s32 $0x1BFF;
	s21 =	sshll.u32 s6, $0x1;
	s3 =	sadd.s32 s4, s19  }
0x9c: {  	s7 =	simm.s32 $0x0;
	s20 =	sshll.u32 s5, $0x1;
	s5 =	sadd.s32 s21, s3  }
0x9d: {  	[timem:s7], [sflag:s22] =	dma.local [hbm:s5], s20  }
0x9e: {  	_ =	swait.ge [sflag:s22], s20  }
0x9f: {  	s4 =	ssub.s32 $0x0, s20;
	[sflag:s22] =	ssyncset.done $0x0  }
0xa0: {  	[sflag:s22] =	ssyncadd.s32 s4;
	_ =	sdelay $0x1  }
0xa1: {  	s23 =	simm.s32 $0x1B8B  }
0xa2: {  	_ =	swait.ge [sflag:s23], $0x1  }
0xa3: {  	[sflag:s23] =	ssyncset.done $0x0  }
0xa4: {  	s25 =	simm.s32 $0x1B8E;
	s24 =	sld [smem:$0x3FFE];
	[sflag:s23] =	ssyncadd.s32 $0xFFFFFFFF  }
0xa5: {  	s26 =	simm.s32 $execute0_lowered;
	[smem:$0x3FD2] =	sst s25  }
0xa6: {  	s5 =	sshll.u32 s26, $0x1;
	_ =	strace $0x80000046;
	[dreg:$0x1] =	wrdreg $0xFFFFFFFF  }
0xa7: {  	s28 =	simm.s32 $_size_execute0_lowered;
	s3 =	sadd.s32 s3, s5;
	[dreg:$0x0] =	wrdreg $0x0  }
0xa8: {  	s5 =	sshll.u32 s28, $0x1;
	[dreg:$0x2] =	wrdreg s3  }
0xa9: {  	[dreg:$0x3] =	wrdreg s5  }
0xaa: {  	[dreg:$0x4] =	wrdreg $0xC0  }
0xab: {  	_ =	task [dreg:s7], $0x5FFFF  }
0xac: {  	[dreg:$0x1] =	wrdreg $0xFFFFFFFF  }
0xad: {  	[dreg:$0x0] =	wrdreg $0x60  }
0xae: {  	[dreg:$0x2] =	wrdreg s24  }
0xaf: {  	[dreg:$0x3] =	wrdreg s2  }
0xb0: {  	[dreg:$0x4] =	wrdreg $0x0  }
0xb1: {  	[dreg:$0x5] =	wrdreg $0x9  }
0xb2: {  	_ =	task.clear_ibuf [dreg:s7], $0x6FFFF;
	_ =	strace $0x90000046  }
0xb3: {  	s29 =	simm.s32 $0x9;
	_ =	strace $0x80000048  }
0xb4: {  	_ =	swait.ge [sflag:s29], $0x1  }
0xb5: {  	[sflag:s29] =	ssyncadd.s32 $0xFFFFFFFF  }
0xb6: {  	_ =	strace $0x90000048  }
0xb7: {  	_ =	sfence  }
0xb8: {  	s30 =	sld [smem:$0x0];
	_ =	sdelay $0x2  }
0xb9: {  	s31 =	sshll.u32 s1, $0xD;
	s1 =	sshrl.u32 s1, $0x2  }
0xba: {  	s3 =	sand.u32 $0x4000, s31;
	s1 =	sadd.s32 s1, s30  }
0xbb: {  	s0 =	sor.u32 s3, s0;
	s1 =	sshll.u32 s1, $0x11  }
0xbc: {  	s0 =	sor.u32 s1, s0  }
0xbd: {  	s0 =	sadd.s32 $0x8F2B, s0  }
0xbe: {  	[sflag:s0] =	ssyncadd.remote.s32 $0x1  }
0xbf: {  	_ =	sfence.sel $0xFFFF  }
0xc0: {  	[dreg:$0x0] =	wrdreg $0xFFFFFFFF;
	(pc) =	sbr.abs _section_cstart, $3  }
0xc1: {  	[dreg:$0x1] =	wrdreg $0xFFFFFFFF  }
0xc2: {  	_ =	task.clear_ibuf [dreg:s7], $0x2FFFF;
	_ =	strace $0x9FFFFFFF  }
0xc3: {  	(tm) =	ssettm $0x7FFFFFFF  }
tec
execute0_lowered:
.L_overlay_start_1:
0x0: {  	(tag) =	ssettag $0x1  }
0x1: {  	s4 =	rddreg [dreg:$0x0]  }
0x2: {  	s7 =	rddreg [dreg:$0x1]  }
0x3: {  	s1 =	rddreg [dreg:$0x2]  }
0x4: {  	s0 =	rddreg [dreg:$0x3];
	s2 =	simm.s32 $0x0  }
0x5: {  	s3 =	srdreg.scid;
	s21 =	stileid.u32;
	s15 =	simm.s32 $0x278  }
0x6: {  	s16 =	simm.s32 $0x2F8;
	s17 =	simm.s32 $0x378;
	s18 =	simm.s32 $0x1  }
0x7: {  	s19 =	simm.s32 $0x80;
	s20 =	simm.s32 $0x3F8;
	s22 =	simm.s32 $0x0  }
0x8: {  	[smem:$0x7FF] =	sst s2;
	s5 =	sand.u32 $0x1, s3;
	s3 =	sadd.s32 $0xBE00, s4  }
0x9: {  	s8 =	smul.u32 $0x2700, s21;
	s9 =	sshll.u32 s21, $0x7;
	s4 =	sadd.s32 $0x15C00, s4  }
0xa: {  	p0 =	sne.s32 s21, $0x0;
	p1 =	slt.u32 s21, $0x2;
	s6 =	smul.u32 $0x27100, s5  }
0xb: {  	_ =	strace $0x80000047;
	s10 =	ssub.s32 $0x2, s5;
	s28 =	smul.u32 $0x4E2, s5  }
0xc: {  	p2 =	sne.s32 @p1 s21, $0x0;
	s21 =	simm.s32 $0x2;
	s11 =	sshrl.u32 s10, $0x1  }
0xd: {  	p2 =	por p2, !p1;
	s9 =	sadd.s32 s9, s6;
	s12 =	sadd.s32 s8, s6  }
0xe: {  	s10 =	ssub.s32 s10, s11;
	s7 =	sadd.s32 s7, s28;
	s26 =	sadd.s32 $0x27000, s9  }
0xf: {  	s29 =	sshrl.u32 s12, $0x3;
	s8 =	smax.u32 s10, $0x1;
	s13 =	sadd.s32 $0x280, s12  }
0x10: {  	s14 =	sadd.s32 $0x200, s12;
	s11 =	sadd.s32 $0x180, s12;
	s6 =	sshrl.u32 s26, $0x3  }
0x11: {  	s30 =	sshrl.u32 s13, $0x3;
	s31 =	sshrl.u32 s14, $0x3;
	s14 =	sshrl.u32 @!p0 s1, $0x3  }
0x12: {  	s5 =	sadd.s32 s3, s6;
	s6 =	sadd.s32 s3, s29;
	s12 =	sadd.s32 s30, s3  }
0x13: {  	v0 =	vimm.f32 $1.000000000e+00;
	s13 =	sadd.s32 s31, s3;
	s9 =	sadd.s32 $0x10, s6;
	s10 =	sadd.s32 $0x20, s6  }
.LBB2_1:
0x14: {  	s23 =	simm.s32 @!p0 $0x1C03  }
0x15: {  	[spmem:s14], [sflag:s23] =	dma.local @!p0 [hbm:s4], $0x4F0  }
0x16: {  	s23 =	simm.s32 @!p0 $0x3  }
0x17: {  	_ =	swait.ge @!p0 [sflag:s23], $0x4F0  }
0x18: {  	[sflag:s23] =	ssyncset.done @!p0 $0x0  }
0x19: {  	[sflag:s23] =	ssyncadd.s32 @!p0 $0xFFFFFB10  }
0x1a: {  	[tilespmem:$0x3F8] =	vst v0  }
0x1b: {  	[tilespmem:$0x408] =	vst v0  }
0x1c: {  	[tilespmem:$0x418] =	vst v0  }
0x1d: {  	[tilespmem:$0x428] =	vst v0  }
0x1e: {  	[tilespmem:$0x438] =	vst v0  }
0x1f: {  	[tilespmem:$0x448] =	vst v0  }
0x20: {  	[tilespmem:$0x458] =	vst v0  }
0x21: {  	[tilespmem:$0x468] =	vst v0  }
0x22: {  	[bflag:$0x0] =	sbarrier.arrive $0xFFFF  }
0x23: {  	[tilespmem:s15], [sflag:$0x1] =	stream.linear.gather [hbm4b:s6+s2], $0x80, $0x38;
	[tilespmem:$0x2BF8] =	vst v63  }
0x24: {  	_ = 	snop  }
0x25: {  	[tilespmem:s16], [sflag:$0x1] =	stream.linear.gather [hbm4b:s9+s2], $0x80, $0x38;
	[tilespmem:$0x2BF8] =	vst v63  }
0x26: {  	_ = 	snop  }
0x27: {  	[tilespmem:s17], [sflag:$0x1] =	stream.linear.gather [hbm4b:s10+s2], $0x80, $0x38;
	[tilespmem:$0x2BF8] =	vst v63  }
0x28: {  	_ =	swait.ge [sflag:s18], $0x80  }
0x29: {  	[sflag:s18] =	ssyncset.done $0x0  }
0x2a: {  	[sflag:s18] =	ssyncadd.s32 $0xFFFFFF80  }
0x2b: {  	_ =	swait.ge [sflag:s18], $0x80  }
0x2c: {  	[sflag:s18] =	ssyncset.done $0x0  }
0x2d: {  	[sflag:s18] =	ssyncadd.s32 $0xFFFFFF80  }
0x2e: {  	_ =	swait.ge [sflag:s18], $0x80  }
0x2f: {  	[sflag:s18] =	ssyncset.done $0x0  }
0x30: {  	[sflag:s18] =	ssyncadd.s32 $0xFFFFFF80  }
0x31: {  	[spmem:s1] =	stream.indirect.scatter.add.f32 [tilespmem:s20], [sflag:$0x2], $0x1, s15, s19, $0xb8;
	[tilespmem:$0x2BF8] =	vst v63  }
0x32: {  	_ = 	snop  }
0x33: {  	[spmem:s1] =	stream.indirect.scatter.add.f32 [tilespmem:s20], [sflag:$0x2], $0x1, s16, s19, $0xb8;
	[tilespmem:$0x2BF8] =	vst v63  }
0x34: {  	_ = 	snop  }
0x35: {  	[spmem:s1] =	stream.indirect.scatter.add.f32 [tilespmem:s20], [sflag:$0x2], $0x1, s17, s19, $0xb8;
	[tilespmem:$0x2BF8] =	vst v63  }
0x36: {  	_ =	swait.ge [sflag:s21], $0x80  }
0x37: {  	[sflag:s21] =	ssyncset.done $0x0  }
0x38: {  	[sflag:s21] =	ssyncadd.s32 $0xFFFFFF80  }
0x39: {  	_ =	swait.ge [sflag:s21], $0x80  }
0x3a: {  	[sflag:s21] =	ssyncset.done $0x0  }
0x3b: {  	[sflag:s21] =	ssyncadd.s32 $0xFFFFFF80  }
0x3c: {  	_ =	swait.ge [sflag:s21], $0x80  }
0x3d: {  	s29 =	sshrl.u32 s11, $0x3;
	[sflag:s21] =	ssyncset.done $0x0  }
0x3e: {  	s23 =	sadd.s32 s3, s29;
	[sflag:s21] =	ssyncadd.s32 $0xFFFFFF80  }
0x3f: {  	[tilespmem:s15], [sflag:$0x1] =	stream.linear.gather [hbm4b:s23+s2], $0x80, $0x38;
	[tilespmem:$0x2BF8] =	vst v63  }
0x40: {  	s30 =	sadd.s32 $0x0, s13  }
0x41: {  	[tilespmem:s16], [sflag:$0x1] =	stream.linear.gather [hbm4b:s30+s2], $0x80, $0x38;
	[tilespmem:$0x2BF8] =	vst v63  }
0x42: {  	s31 =	sadd.s32 $0x0, s12  }
0x43: {  	[tilespmem:s17], [sflag:$0x1] =	stream.linear.gather [hbm4b:s31+s2], $0x80, $0x38;
	[tilespmem:$0x2BF8] =	vst v63  }
0x44: {  	_ =	swait.ge [sflag:s18], $0x80  }
0x45: {  	[sflag:s18] =	ssyncset.done $0x0  }
0x46: {  	[sflag:s18] =	ssyncadd.s32 $0xFFFFFF80  }
0x47: {  	_ =	swait.ge [sflag:s18], $0x80  }
0x48: {  	[sflag:s18] =	ssyncset.done $0x0  }
0x49: {  	[sflag:s18] =	ssyncadd.s32 $0xFFFFFF80  }
0x4a: {  	_ =	swait.ge [sflag:s18], $0x80  }
0x4b: {  	[sflag:s18] =	ssyncset.done $0x0  }
0x4c: {  	[sflag:s18] =	ssyncadd.s32 $0xFFFFFF80  }
0x4d: {  	[spmem:s1] =	stream.indirect.scatter.add.f32 [tilespmem:s20], [sflag:$0x2], $0x1, s15, s19, $0xb8;
	[tilespmem:$0x2BF8] =	vst v63  }
0x4e: {  	s24 =	sadd.s32 $0x180, s11;
	s23 =	simm.s32 $0x30  }
0x4f: {  	[spmem:s1] =	stream.indirect.scatter.add.f32 [tilespmem:s20], [sflag:$0x2], $0x1, s16, s19, $0xb8;
	[tilespmem:$0x2BF8] =	vst v63  }
.LBB2_2:
0x50: {  	[spmem:s1] =	stream.indirect.scatter.add.f32 [tilespmem:s20], [sflag:$0x2], $0x1, s17, s19, $0xb8;
	[tilespmem:$0x2BF8] =	vst v63  }
0x51: {  	s25 =	smov.u32 s23  }
0x52: {  	p3 =	sne.s32 s23, $0x480;
	s23 =	sadd.s32 $0x30, s23;
	_ =	swait.ge [sflag:s21], $0x80  }
0x53: {  	[sflag:s21] =	ssyncset.done $0x0  }
0x54: {  	[sflag:s21] =	ssyncadd.s32 $0xFFFFFF80  }
0x55: {  	_ =	swait.ge [sflag:s21], $0x80  }
0x56: {  	[sflag:s21] =	ssyncset.done $0x0  }
0x57: {  	[sflag:s21] =	ssyncadd.s32 $0xFFFFFF80  }
0x58: {  	_ =	swait.ge [sflag:s21], $0x80  }
0x59: {  	s26 =	sshrl.u32 s24, $0x3;
	[sflag:s21] =	ssyncset.done $0x0  }
0x5a: {  	s26 =	sadd.s32 s3, s26;
	[sflag:s21] =	ssyncadd.s32 $0xFFFFFF80  }
0x5b: {  	[tilespmem:s15], [sflag:$0x1] =	stream.linear.gather [hbm4b:s26+s2], $0x80, $0x38;
	[tilespmem:$0x2BF8] =	vst v63  }
0x5c: {  	s26 =	sadd.s32 s25, s13  }
0x5d: {  	[tilespmem:s16], [sflag:$0x1] =	stream.linear.gather [hbm4b:s26+s2], $0x80, $0x38;
	[tilespmem:$0x2BF8] =	vst v63  }
0x5e: {  	s25 =	sadd.s32 s25, s12  }
0x5f: {  	[tilespmem:s17], [sflag:$0x1] =	stream.linear.gather [hbm4b:s25+s2], $0x80, $0x38;
	[tilespmem:$0x2BF8] =	vst v63  }
0x60: {  	_ =	swait.ge [sflag:s18], $0x80  }
0x61: {  	[sflag:s18] =	ssyncset.done $0x0  }
0x62: {  	[sflag:s18] =	ssyncadd.s32 $0xFFFFFF80  }
0x63: {  	_ =	swait.ge [sflag:s18], $0x80  }
0x64: {  	[sflag:s18] =	ssyncset.done $0x0  }
0x65: {  	[sflag:s18] =	ssyncadd.s32 $0xFFFFFF80  }
0x66: {  	_ =	swait.ge [sflag:s18], $0x80  }
0x67: {  	[sflag:s18] =	ssyncset.done $0x0  }
.Ltmp0:
0x68: {  	[sflag:s18] =	ssyncadd.s32 $0xFFFFFF80;
	(pc) =	sbr.rel @p3 .LBB2_2-.Ltmp0, $4  }
0x69: {  	[spmem:s1] =	stream.indirect.scatter.add.f32 [tilespmem:s20], [sflag:$0x2], $0x1, s15, s19, $0xb8;
	[tilespmem:$0x2BF8] =	vst v63  }
0x6a: {  	_ = 	snop  }
0x6b: {  	[spmem:s1] =	stream.indirect.scatter.add.f32 [tilespmem:s20], [sflag:$0x2], $0x1, s16, s19, $0xb8;
	[tilespmem:$0x2BF8] =	vst v63  }
0x6c: {  	s24 =	sadd.s32 $0x180, s24  }
0x6d: {  	[spmem:s1] =	stream.indirect.scatter.add.f32 [tilespmem:s20], [sflag:$0x2], $0x1, s17, s19, $0xb8;
	[tilespmem:$0x2BF8] =	vst v63  }
0x6e: {  	_ =	swait.ge [sflag:s21], $0x80  }
0x6f: {  	[sflag:s21] =	ssyncset.done $0x0  }
0x70: {  	[sflag:s21] =	ssyncadd.s32 $0xFFFFFF80  }
0x71: {  	_ =	swait.ge [sflag:s21], $0x80  }
0x72: {  	[sflag:s21] =	ssyncset.done $0x0  }
0x73: {  	[sflag:s21] =	ssyncadd.s32 $0xFFFFFF80  }
0x74: {  	_ =	swait.ge [sflag:s21], $0x80  }
0x75: {  	[sflag:s21] =	ssyncset.done $0x0  }
0x76: {  	s23 =	simm.s32 @p1 $0x0;
	s24 =	simm.s32 @p1 $0x278;
	[sflag:s21] =	ssyncadd.s32 $0xFFFFFF80  }
0x77: {  	[tilespmem:s24], [sflag:$0x3] =	stream.linear.gather @p1 [hbm4b:s5+s23], $0x80, $0x38;
	[tilespmem:$0x2BF8] =	vst v63  }
0x78: {  	s23 =	simm.s32 @p1 $0x3  }
0x79: {  	_ =	swait.ge @p1 [sflag:s23], $0x80  }
0x7a: {  	[sflag:s23] =	ssyncset.done @p1 $0x0  }
0x7b: {  	s25 =	simm.s32 @p1 $0x80;
	s26 =	simm.s32 @p1 $0x3F8;
	[sflag:s23] =	ssyncadd.s32 @p1 $0xFFFFFF80  }
0x7c: {  	[spmem:s1] =	stream.indirect.scatter.add.f32 @p1 [tilespmem:s26], [sflag:$0x3], $0x1, s24, s25, $0xb8;
	[tilespmem:$0x2BF8] =	vst v63  }
0x7d: {  	_ =	swait.ge @p1 [sflag:s23], $0x80  }
0x7e: {  	[sflag:s23] =	ssyncset.done @p1 $0x0  }
0x7f: {  	[sflag:s23] =	ssyncadd.s32 @p1 $0xFFFFFF80  }
0x80: {  	s24 =	simm.s32 @!p2 $0x3;
	s23 =	simm.s32 @!p2 $0x478;
	[bflag:$0x0] =	sbarrier.arrive @p1 $0xFFFF  }
0x81: {  	[tilespmem:s23], [sflag:$0x3] =	stream.linear.gather @!p2 [spmem:s1], $0x2780, $0x38;
	[tilespmem:$0x2BF8] =	vst v63  }
0x82: {  	_ =	swait.ge @!p2 [sflag:s24], $0x2780  }
0x83: {  	s22 =	sadd.s32 $0x1, s22;
	[sflag:s24] =	ssyncset.done @!p2 $0x0  }
0x84: {  	p3 =	sne.s32 s22, s8;
	s25 =	simm.s32 @!p2 $0x0;
	[sflag:s24] =	ssyncadd.s32 @!p2 $0xFFFFD880  }
0x85: {  	[hbm4b:s7+s25] =	stream.linear.scatter @!p2 [tilespmem:s23], [sflag:$0x3], $0x2710, $0x38;
	[tilespmem:$0x2BF8] =	vst v63  }
.Ltmp1:
0x86: {  	_ =	swait.ge @!p2 [sflag:s24], $0x2710;
	(pc) =	sbr.rel @p3 .LBB2_1-.Ltmp1, $3  }
0x87: {  	[sflag:s24] =	ssyncset.done @!p2 $0x0  }
0x88: {  	[sflag:s24] =	ssyncadd.s32 @!p2 $0xFFFFD8F0  }
0x89: {  	[bflag:$0x0] =	sbarrier.arrive @!p1 $0xFFFF;
	_ =	sdelay $0x1  }
0x8a: {  	_ =	sfence.sel $0x180000  }
0x8b: {  	[bflag:$0x0] =	sbarrier.arrive $0xFFFF  }
0x8c: {  	_ =	strace $0x90000047  }
0x8d: {  	s0 =	sadd.s32 @!p0 $0x100000, s0;
	[bflag:$0x2] =	sbarrier.arrive $0xFFFF  }
0x8e: {  	[sflag:s0] =	ssyncadd.tile.s32 @!p0 $0x1;
	_ =	shalt  }
.Lfunc_end2:
_tile_overlayer_lowered:
.L_overlay_start_2:
0x8f: {  	(tag) =	ssettag $0x2  }
0x90: {  	s0 =	rddreg [dreg:$0x0];
	s2 =	stileid.u32  }
0x91: {  	s1 =	rddreg [dreg:$0x1];
	p0 =	sne.s32 s2, $0x0  }
0x92: {  	s3 =	rddreg [dreg:$0x2];
	[bflag:$0x3] =	sbarrier.arrive $0xFFFF;
	s2 =	simm.s32 @!p0 $0x1C03  }
0x93: {  	[timem:s3], [sflag:s2] =	dma.local @!p0 [hbm:s0], s1  }
0x94: {  	s0 =	simm.s32 @!p0 $0x3  }
0x95: {  	_ =	swait.ge @!p0 [sflag:s0], s1  }
0x96: {  	s1 =	ssub.s32 @!p0 $0x0, s1;
	[sflag:s0] =	ssyncset.done @!p0 $0x0  }
0x97: {  	[sflag:s0] =	ssyncadd.s32 @!p0 s1  }
0x98: {  	[bflag:$0x3] =	sbarrier.arrive $0xFFFF  }
0x99: {  	_ =	shalt  }

</sc_bundles>
